<compile_context>
chip_gen: v7x
topology: tpu7x:2x2x1
jax: 0.10.2.dev20260603
libtpu: 0.0.44.dev20260713+nightly
codegen_flags: <defaults>
</compile_context>

<pallas_src>
import functools

import jax
import jax.numpy as jnp
from jax import lax
from jax.experimental import pallas as pl
from jax.experimental.pallas import tpu as pltpu
from jax.experimental.pallas import tpu_sc as plsc

B = 4096
L = 200
V = 40961
D = 128
C0 = 104
C1 = 96
NW = 32
P = 1
NP = B // P
ROWS = 512


def _make_bag_sum(piece):
    spw = NP // NW

    def body(xw_hbm, xb_hbm, emb_hbm, out_hbm,
             idxw_v, idxb_v, rb0, rb1, out_v, sem0, sem1):
        w = lax.axis_index("s") * 2 + lax.axis_index("c")
        base = piece * NP + w * spw

        pltpu.sync_copy(xw_hbm.at[pl.ds(base, spw)], idxw_v)
        pltpu.sync_copy(xb_hbm.at[pl.ds(base, spw)], idxb_v)

        rbufs = (rb0, rb1)
        sems = (sem0, sem1)
        counts = (C0, C1)
        offs = (0, C0)

        def wait(b):
            pltpu.make_async_copy(
                emb_hbm.at[idxw_v.at[0, pl.ds(offs[b], counts[b])]],
                rbufs[b], sems[b]).wait()

        def accum(b, init):
            rbuf = rbufs[b]

            def rbody(j, a):
                word = rbuf[j, :]
                lo = jax.lax.bitcast_convert_type(word << 16, jnp.float32)
                hi = jax.lax.bitcast_convert_type(
                    word & jnp.int32(-65536), jnp.float32)
                return (a[0] + lo, a[1] + hi)

            return lax.fori_loop(0, counts[b], rbody, init, unroll=8)

        zeros = (jnp.zeros((D // 2,), jnp.float32),
                 jnp.zeros((D // 2,), jnp.float32))
        nch = 2 * spw

        def phase(idx_v, bag):
            def issue(c, b):
                pltpu.make_async_copy(
                    emb_hbm.at[idx_v.at[c >> 1, pl.ds(offs[b], counts[b])]],
                    rbufs[b], sems[b]).start()

            issue(0, 0)
            issue(1, 1)

            def outer(i, _):
                c = 2 * i
                wait(0)
                acc = accum(0, zeros)

                @pl.when(c + 2 < nch)
                def _():
                    issue(c + 2, 0)

                wait(1)
                acc = accum(1, acc)

                @pl.when(c + 3 < nch)
                def _():
                    issue(c + 3, 1)

                out_v[i, pl.ds(bag * D, D // 2)] = acc[0]
                out_v[i, pl.ds(bag * D + D // 2, D // 2)] = acc[1]
                return 0

            lax.fori_loop(0, spw, outer, 0)

        phase(idxw_v, 0)
        phase(idxb_v, 1)

        pltpu.sync_copy(out_v, out_hbm.at[pl.ds(w * spw, spw)])

    return functools.partial(
        pl.kernel,
        out_type=jax.ShapeDtypeStruct((NP, 2 * D), jnp.float32),
        mesh=plsc.VectorSubcoreMesh(core_axis_name="c", subcore_axis_name="s"),
        scratch_types=[
            pltpu.VMEM((spw, L), jnp.int32),
            pltpu.VMEM((spw, L), jnp.int32),
            pltpu.VMEM((C0, D // 2), jnp.int32),
            pltpu.VMEM((C1, D // 2), jnp.int32),
            pltpu.VMEM((spw, 2 * D), jnp.float32),
            pltpu.SemaphoreType.DMA,
            pltpu.SemaphoreType.DMA,
        ],
        compiler_params=pltpu.CompilerParams(use_tc_tiling_on_sc=False),
    )(body)


_bag_sum_pieces = [_make_bag_sum(p) for p in range(P)]


def _heads_piece(p, pooled, w1t, b1, ew1, eb1, ew2, eb2, ew3, eb3, prev):
    grid = (NP // ROWS,)
    off = p * (NP // ROWS)
    full = lambda shape: pl.BlockSpec(shape, lambda i: (0, 0))
    in_specs = [
        pl.BlockSpec((ROWS, 2 * D), lambda i: (i, 0)),
        full((2 * D, 4096)),
        full((1, 4096)),
        full((2 * D, D)),
        full((1, D)),
        full((D, D)),
        full((1, D)),
        full((D, D)),
        full((1, D)),
    ]
    args = [pooled, w1t, b1, ew1, eb1, ew2, eb2, ew3, eb3]
    aliases = {}
    if prev is not None:
        in_specs += [pl.BlockSpec(memory_space=pl.ANY),
                     pl.BlockSpec(memory_space=pl.ANY)]
        args += [prev[0], prev[1]]
        aliases = {9: 0, 10: 1}

    def body(*refs):
        (pooled_ref, w1t_ref, b1_ref, ew1_ref, eb1_ref,
         ew2_ref, eb2_ref, ew3_ref, eb3_ref) = refs[:9]
        y_ref, z_ref = refs[len(in_specs):]
        h = jnp.maximum(pooled_ref[...], 0.0)
        hp = jax.lax.Precision.DEFAULT
        y_ref[...] = (jnp.dot(h, w1t_ref[...], precision=hp,
                              preferred_element_type=jnp.float32)
                      + b1_ref[...])
        z1 = jnp.maximum(jnp.dot(h, ew1_ref[...], precision=hp,
                                 preferred_element_type=jnp.float32)
                         + eb1_ref[...], 0.0)
        z2 = jnp.maximum(jnp.dot(z1, ew2_ref[...], precision=hp,
                                 preferred_element_type=jnp.float32)
                         + eb2_ref[...], 0.0)
        z_ref[...] = (jnp.dot(z2, ew3_ref[...], precision=hp,
                              preferred_element_type=jnp.float32)
                      + eb3_ref[...])

    return pl.pallas_call(
        body,
        grid=grid,
        in_specs=in_specs,
        out_specs=[
            pl.BlockSpec((ROWS, 4096), lambda i: (off + i, 0)),
            pl.BlockSpec((ROWS, D), lambda i: (off + i, 0)),
        ],
        out_shape=[
            jax.ShapeDtypeStruct((B, 4096), jnp.float32),
            jax.ShapeDtypeStruct((B, D), jnp.float32),
        ],
        input_output_aliases=aliases,
    )(*args)


def kernel(x_w, x_b, emb, m_w1, m_b1, e_w1, e_b1, e_w2, e_b2, e_w3, e_b3):
    r = jax.lax.bitcast_convert_type(emb, jnp.uint32) + jnp.uint32(0x8000)
    w = (r[:, :64] >> 16) | (r[:, 64:] & jnp.uint32(0xFFFF0000))
    tab = jax.lax.bitcast_convert_type(w, jnp.int32)

    w1t = m_w1.T
    b1 = m_b1.reshape(1, 4096)
    ew1 = jnp.zeros((2 * D, D), jnp.float32).at[:, :32].set(e_w1.T)
    eb1 = jnp.zeros((1, D), jnp.float32).at[0, :32].set(e_b1)
    ew2 = jnp.zeros((D, D), jnp.float32).at[:32, :32].set(e_w2.T)
    eb2 = jnp.zeros((1, D), jnp.float32).at[0, :32].set(e_b2)
    ew3 = jnp.zeros((D, D), jnp.float32).at[:32, :1].set(e_w3.T)
    eb3 = jnp.zeros((1, D), jnp.float32).at[0, :1].set(e_b3)

    pooled = [None] * P
    pooled[0] = _bag_sum_pieces[0](x_w, x_b, tab)
    prev = None
    for p in range(P):
        if p + 1 < P:
            pooled[p + 1] = _bag_sum_pieces[p + 1](x_w, x_b, tab)
        prev = _heads_piece(p, pooled[p], w1t, b1, ew1, eb1, ew2, eb2,
                            ew3, eb3, prev)
    y, zfull = prev
    return (y, zfull[:, :1])

# --- scband reference (transcript-rebuilt; emitter-appended) ---
"""Pipeline reference for scband-my-model-34703335752218 (READ-ONLY COPY).

The authoritative reference and input builder live on the scoring server;
editing this copy changes nothing except your own understanding.
"""

import jax, jax.numpy as jnp
import numpy as np

B, L = 4096, 200
V, D = 40961, 128
PAD = 40960
W_MOVE, W_E1, W_E2, W_E3 = 4096, 32, 32, 1


def _lin_init(k, out_f, in_f):
    s = 1.0 / np.sqrt(in_f)
    kw, kb = jax.random.split(k)
    w = jax.random.uniform(kw, (out_f, in_f), minval=-s, maxval=s, dtype=jnp.float32)
    b = jax.random.uniform(kb, (out_f,), minval=-s, maxval=s, dtype=jnp.float32)
    return w, b


def setup_inputs(seed: int = 0) -> dict:
    key = jax.random.key(seed)
    ks = jax.random.split(key, 8)
    x_w = jax.random.randint(ks[0], (B, L), 0, PAD, dtype=jnp.int32)
    x_b = jax.random.randint(ks[1], (B, L), 0, PAD, dtype=jnp.int32)
    init_scale = float(np.sqrt(2.0 * 3.0 / (V - 1)))
    emb = jax.random.uniform(ks[2], (V, D), minval=-init_scale, maxval=init_scale, dtype=jnp.float32)
    emb = emb.at[PAD].set(0.0)
    m_w1, m_b1 = _lin_init(ks[3], W_MOVE, 2 * D)
    e_w1, e_b1 = _lin_init(ks[4], W_E1, 2 * D)
    e_w2, e_b2 = _lin_init(ks[5], W_E2, W_E1)
    e_w3, e_b3 = _lin_init(ks[6], W_E3, W_E2)
    return {"x_w": x_w, "x_b": x_b, "emb": emb, "m_w1": m_w1, "m_b1": m_b1,
            "e_w1": e_w1, "e_b1": e_b1, "e_w2": e_w2, "e_b2": e_b2,
            "e_w3": e_w3, "e_b3": e_b3}


def reference(x_w, x_b, emb, m_w1, m_b1, e_w1, e_b1, e_w2, e_b2, e_w3, e_b3):
    xw = jnp.take(emb, x_w, axis=0)
    xb = jnp.take(emb, x_b, axis=0)
    xw = jnp.sum(xw, axis=-2)
    xb = jnp.sum(xb, axis=-2)
    x = jnp.concatenate([xw, xb], axis=-1)
    h = jax.nn.relu(x)
    y = h @ m_w1.T + m_b1
    z = jax.nn.relu(h @ e_w1.T + e_b1)
    z = jax.nn.relu(z @ e_w2.T + e_b2)
    z = z @ e_w3.T + e_b3
    return (y, z)

if __name__ == "__main__":
    import jax
    _d = setup_inputs()
    print(jax.jit(kernel)(*tuple(_d.values())))

</pallas_src>

<mosaic_0001>
#map = affine_map<(d0, d1) -> (0, 0)>
module attributes {stable_mosaic.version = 14 : i64} {
  func.func @body(%arg0: i32, %arg1: i32, %arg2: memref<4096x200xi32, #tpu.memory_space<hbm>>, %arg3: memref<4096x200xi32, #tpu.memory_space<hbm>>, %arg4: memref<40961x64xi32, #tpu.memory_space<hbm>>, %arg5: memref<4096x256xf32, #tpu.memory_space<hbm>>, %arg6: memref<128x200xi32, #tpu.memory_space<vmem>>, %arg7: memref<128x200xi32, #tpu.memory_space<vmem>>, %arg8: memref<104x64xi32, #tpu.memory_space<vmem>>, %arg9: memref<96x64xi32, #tpu.memory_space<vmem>>, %arg10: memref<128x256xf32, #tpu.memory_space<vmem>>, %arg11: memref<!tpu.dma_semaphore, #tpu.memory_space<semaphore_mem>>, %arg12: memref<!tpu.dma_semaphore, #tpu.memory_space<semaphore_mem>>) attributes {dimension_semantics = [#tpu.dimension_semantics<core_parallel>, #tpu.dimension_semantics<subcore_parallel>], iteration_bounds = array<i64: 2, 16>, scalar_prefetch = 0 : i64, scratch_operands = 7 : i64, tpu.core_type = #tpu.core_type<sc_vector_subcore>, window_params = [{transform_indices = #map}, {transform_indices = #map}, {transform_indices = #map}, {transform_indices = #map}]} {
    %mul3A = arith.constant 2 : i32
    %mul3A_0 = arith.muli %arg1, %mul3A : i32
    %add3A = arith.addi %mul3A_0, %arg0 : i32
    %mul3A_1 = arith.constant 128 : i32
    %mul3A_2 = arith.muli %add3A, %mul3A_1 : i32
    %add3A_3 = arith.constant 0 : i32
    %add3A_4 = arith.addi %add3A_3, %mul3A_2 : i32
    "tpu.region"() ({
      %run_scoped3A = tpu.sem_alloc : memref<!tpu.dma_semaphore, #tpu.memory_space<semaphore_mem>>
      %dma_start3A_50 = arith.constant 0 : i32
      %dma_start3A_51 = tpu.memref_slice %arg2[%add3A_4, %dma_start3A_50] : memref<4096x200xi32, #tpu.memory_space<hbm>> -> memref<128x200xi32, #tpu.memory_space<hbm>>
      %dma_start3A_52 = arith.constant 0 : i32
      %dma_start3A_53 = tpu.memref_slice %arg2[%add3A_4, %dma_start3A_52] : memref<4096x200xi32, #tpu.memory_space<hbm>> -> memref<128x200xi32, #tpu.memory_space<hbm>>
      tpu.enqueue_dma source(%dma_start3A_53 : memref<128x200xi32, #tpu.memory_space<hbm>>) target(%arg6 : memref<128x200xi32, #tpu.memory_space<vmem>>) target_semaphore(%run_scoped3A : memref<!tpu.dma_semaphore, #tpu.memory_space<semaphore_mem>>)
      %dma_wait3A = arith.constant 0 : i32
      %dma_wait3A_54 = tpu.memref_slice %arg2[%add3A_4, %dma_wait3A] : memref<4096x200xi32, #tpu.memory_space<hbm>> -> memref<128x200xi32, #tpu.memory_space<hbm>>
      %dma_wait3A_55 = arith.constant 0 : i32
      %dma_wait3A_56 = tpu.memref_slice %arg2[%add3A_4, %dma_wait3A_55] : memref<4096x200xi32, #tpu.memory_space<hbm>> -> memref<128x200xi32, #tpu.memory_space<hbm>>
      tpu.wait_dma2 semaphore(%run_scoped3A : memref<!tpu.dma_semaphore, #tpu.memory_space<semaphore_mem>>) src(%dma_wait3A_56 : memref<128x200xi32, #tpu.memory_space<hbm>>) dst(%arg6 : memref<128x200xi32, #tpu.memory_space<vmem>>)
      tpu.yield
    }) : () -> ()
    "tpu.region"() ({
      %run_scoped3A = tpu.sem_alloc : memref<!tpu.dma_semaphore, #tpu.memory_space<semaphore_mem>>
      %dma_start3A_50 = arith.constant 0 : i32
      %dma_start3A_51 = tpu.memref_slice %arg3[%add3A_4, %dma_start3A_50] : memref<4096x200xi32, #tpu.memory_space<hbm>> -> memref<128x200xi32, #tpu.memory_space<hbm>>
      %dma_start3A_52 = arith.constant 0 : i32
      %dma_start3A_53 = tpu.memref_slice %arg3[%add3A_4, %dma_start3A_52] : memref<4096x200xi32, #tpu.memory_space<hbm>> -> memref<128x200xi32, #tpu.memory_space<hbm>>
      tpu.enqueue_dma source(%dma_start3A_53 : memref<128x200xi32, #tpu.memory_space<hbm>>) target(%arg7 : memref<128x200xi32, #tpu.memory_space<vmem>>) target_semaphore(%run_scoped3A : memref<!tpu.dma_semaphore, #tpu.memory_space<semaphore_mem>>)
      %dma_wait3A = arith.constant 0 : i32
      %dma_wait3A_54 = tpu.memref_slice %arg3[%add3A_4, %dma_wait3A] : memref<4096x200xi32, #tpu.memory_space<hbm>> -> memref<128x200xi32, #tpu.memory_space<hbm>>
      %dma_wait3A_55 = arith.constant 0 : i32
      %dma_wait3A_56 = tpu.memref_slice %arg3[%add3A_4, %dma_wait3A_55] : memref<4096x200xi32, #tpu.memory_space<hbm>> -> memref<128x200xi32, #tpu.memory_space<hbm>>
      tpu.wait_dma2 semaphore(%run_scoped3A : memref<!tpu.dma_semaphore, #tpu.memory_space<semaphore_mem>>) src(%dma_wait3A_56 : memref<128x200xi32, #tpu.memory_space<hbm>>) dst(%arg7 : memref<128x200xi32, #tpu.memory_space<vmem>>)
      tpu.yield
    }) : () -> ()
    %broadcast_in_dim3A = arith.constant 0.000000e+00 : f32
    %broadcast_in_dim3A_5 = vector.broadcast %broadcast_in_dim3A : f32 to vector<64xf32>
    %broadcast_in_dim3A_6 = arith.constant 0.000000e+00 : f32
    %broadcast_in_dim3A_7 = vector.broadcast %broadcast_in_dim3A_6 : f32 to vector<64xf32>
    %dma_start3A = arith.constant 0 : i32
    %dma_start3A_8 = arith.constant 0 : i32
    %dma_start3A_9 = tpu.memref_slice %arg6[%dma_start3A, %dma_start3A_8] : memref<128x200xi32, #tpu.memory_space<vmem>> -> memref<1x104xi32, #tpu.memory_space<vmem>>
    %dma_start3A_10 = tpu.memref_squeeze %dma_start3A_9 : memref<1x104xi32, #tpu.memory_space<vmem>> -> memref<104xi32, #tpu.memory_space<vmem>>
    %dma_start3A_11 = arith.constant 0 : i32
    %dma_start3A_12 = arith.constant 0 : i32
    %dma_start3A_13 = tpu.memref_slice %arg4[%dma_start3A_11, %dma_start3A_12] : memref<40961x64xi32, #tpu.memory_space<hbm>> -> memref<40961x64xi32, #tpu.memory_space<hbm>>
    tpu.enqueue_indirect_dma source(%dma_start3A_13 : memref<40961x64xi32, #tpu.memory_space<hbm>>) target(%arg8 : memref<104x64xi32, #tpu.memory_space<vmem>>) offsets(%dma_start3A_10 : memref<104xi32, #tpu.memory_space<vmem>>) semaphore(%arg11 : memref<!tpu.dma_semaphore, #tpu.memory_space<semaphore_mem>>)
    %dma_start3A_14 = arith.constant 0 : i32
    %dma_start3A_15 = arith.constant 104 : i32
    %dma_start3A_16 = tpu.memref_slice %arg6[%dma_start3A_14, %dma_start3A_15] : memref<128x200xi32, #tpu.memory_space<vmem>> -> memref<1x96xi32, #tpu.memory_space<vmem>>
    %dma_start3A_17 = tpu.memref_squeeze %dma_start3A_16 : memref<1x96xi32, #tpu.memory_space<vmem>> -> memref<96xi32, #tpu.memory_space<vmem>>
    %dma_start3A_18 = arith.constant 0 : i32
    %dma_start3A_19 = arith.constant 0 : i32
    %dma_start3A_20 = tpu.memref_slice %arg4[%dma_start3A_18, %dma_start3A_19] : memref<40961x64xi32, #tpu.memory_space<hbm>> -> memref<40961x64xi32, #tpu.memory_space<hbm>>
    tpu.enqueue_indirect_dma source(%dma_start3A_20 : memref<40961x64xi32, #tpu.memory_space<hbm>>) target(%arg9 : memref<96x64xi32, #tpu.memory_space<vmem>>) offsets(%dma_start3A_17 : memref<96xi32, #tpu.memory_space<vmem>>) semaphore(%arg12 : memref<!tpu.dma_semaphore, #tpu.memory_space<semaphore_mem>>)
    %scan3A = arith.constant 0 : i32
    %scan3A_21 = arith.constant 0 : i32
    %scan3A_22 = arith.constant 128 : i32
    %scan3A_23 = arith.addi %scan3A_21, %scan3A_22 : i32
    %scan3A_24 = arith.constant 1 : i32
    %scan3A_25 = scf.for %scan3A_50 = %scan3A_21 to %scan3A_23 step %scan3A_24 iter_args(%scan3A_51 = %scan3A) -> (i32)  : i32 {
      %mul3A_52 = arith.constant 2 : i32
      %mul3A_53 = arith.muli %mul3A_52, %scan3A_50 : i32
      %dma_wait3A = arith.constant 0 : i32
      %dma_wait3A_54 = arith.constant 0 : i32
      %dma_wait3A_55 = tpu.memref_slice %arg6[%dma_wait3A, %dma_wait3A_54] : memref<128x200xi32, #tpu.memory_space<vmem>> -> memref<1x104xi32, #tpu.memory_space<vmem>>
      %dma_wait3A_56 = tpu.memref_squeeze %dma_wait3A_55 : memref<1x104xi32, #tpu.memory_space<vmem>> -> memref<104xi32, #tpu.memory_space<vmem>>
      %dma_wait3A_57 = arith.constant 0 : i32
      %dma_wait3A_58 = arith.constant 0 : i32
      %dma_wait3A_59 = tpu.memref_slice %arg4[%dma_wait3A_57, %dma_wait3A_58] : memref<40961x64xi32, #tpu.memory_space<hbm>> -> memref<40961x64xi32, #tpu.memory_space<hbm>>
      tpu.wait_indirect_dma semaphore(%arg11 : memref<!tpu.dma_semaphore, #tpu.memory_space<semaphore_mem>>) src(%dma_wait3A_59 : memref<40961x64xi32, #tpu.memory_space<hbm>>) dst(%arg8 : memref<104x64xi32, #tpu.memory_space<vmem>>)
      %scan3A_60 = arith.constant 0 : i32
      %scan3A_61 = arith.constant 104 : i32
      %scan3A_62 = arith.addi %scan3A_60, %scan3A_61 : i32
      %scan3A_63 = arith.constant 8 : i32
      %scan3A_64:2 = scf.for %scan3A_100 = %scan3A_60 to %scan3A_62 step %scan3A_63 iter_args(%scan3A_101 = %broadcast_in_dim3A_5, %scan3A_102 = %broadcast_in_dim3A_7) -> (vector<64xf32>, vector<64xf32>)  : i32 {
        %get3A = arith.index_cast %scan3A_100 : i32 to index
        %get3A_103 = arith.constant 0 : index
        %get3A_104 = tpu.vector_load %arg8[%get3A, %get3A_103] {strides = array<i32>} : memref<104x64xi32, #tpu.memory_space<vmem>>, vector<1x64xi32>,
        %get3A_105 = vector.shape_cast %get3A_104 : vector<1x64xi32> to vector<64xi32>
        %shift_left3A = arith.constant 16 : i32
        %shift_left3A_106 = vector.broadcast %shift_left3A : i32 to vector<64xi32>
        %shift_left3A_107 = arith.shli %get3A_105, %shift_left3A_106 : vector<64xi32>
        %bitcast_convert_type3A = tpu.bitcast %shift_left3A_107 : vector<64xi32> -> vector<64xf32>
        %and3A = arith.constant -65536 : i32
        %and3A_108 = vector.broadcast %and3A : i32 to vector<64xi32>
        %and3A_109 = arith.andi %get3A_105, %and3A_108 : vector<64xi32>
        %bitcast_convert_type3A_110 = tpu.bitcast %and3A_109 : vector<64xi32> -> vector<64xf32>
        %add3A_111 = arith.addf %scan3A_101, %bitcast_convert_type3A : vector<64xf32>
        %add3A_112 = arith.addf %scan3A_102, %bitcast_convert_type3A_110 : vector<64xf32>
        %scan3A_113 = arith.constant 1 : i32
        %scan3A_114 = arith.addi %scan3A_100, %scan3A_113 : i32
        %get3A_115 = arith.index_cast %scan3A_114 : i32 to index
        %get3A_116 = arith.constant 0 : index
        %get3A_117 = tpu.vector_load %arg8[%get3A_115, %get3A_116] {strides = array<i32>} : memref<104x64xi32, #tpu.memory_space<vmem>>, vector<1x64xi32>,
        %get3A_118 = vector.shape_cast %get3A_117 : vector<1x64xi32> to vector<64xi32>
        %shift_left3A_119 = arith.constant 16 : i32
        %shift_left3A_120 = vector.broadcast %shift_left3A_119 : i32 to vector<64xi32>
        %shift_left3A_121 = arith.shli %get3A_118, %shift_left3A_120 : vector<64xi32>
        %bitcast_convert_type3A_122 = tpu.bitcast %shift_left3A_121 : vector<64xi32> -> vector<64xf32>
        %and3A_123 = arith.constant -65536 : i32
        %and3A_124 = vector.broadcast %and3A_123 : i32 to vector<64xi32>
        %and3A_125 = arith.andi %get3A_118, %and3A_124 : vector<64xi32>
        %bitcast_convert_type3A_126 = tpu.bitcast %and3A_125 : vector<64xi32> -> vector<64xf32>
        %add3A_127 = arith.addf %add3A_111, %bitcast_convert_type3A_122 : vector<64xf32>
        %add3A_128 = arith.addf %add3A_112, %bitcast_convert_type3A_126 : vector<64xf32>
        %scan3A_129 = arith.constant 2 : i32
        %scan3A_130 = arith.addi %scan3A_100, %scan3A_129 : i32
        %get3A_131 = arith.index_cast %scan3A_130 : i32 to index
        %get3A_132 = arith.constant 0 : index
        %get3A_133 = tpu.vector_load %arg8[%get3A_131, %get3A_132] {strides = array<i32>} : memref<104x64xi32, #tpu.memory_space<vmem>>, vector<1x64xi32>,
        %get3A_134 = vector.shape_cast %get3A_133 : vector<1x64xi32> to vector<64xi32>
        %shift_left3A_135 = arith.constant 16 : i32
        %shift_left3A_136 = vector.broadcast %shift_left3A_135 : i32 to vector<64xi32>
        %shift_left3A_137 = arith.shli %get3A_134, %shift_left3A_136 : vector<64xi32>
        %bitcast_convert_type3A_138 = tpu.bitcast %shift_left3A_137 : vector<64xi32> -> vector<64xf32>
        %and3A_139 = arith.constant -65536 : i32
        %and3A_140 = vector.broadcast %and3A_139 : i32 to vector<64xi32>
        %and3A_141 = arith.andi %get3A_134, %and3A_140 : vector<64xi32>
        %bitcast_convert_type3A_142 = tpu.bitcast %and3A_141 : vector<64xi32> -> vector<64xf32>
        %add3A_143 = arith.addf %add3A_127, %bitcast_convert_type3A_138 : vector<64xf32>
        %add3A_144 = arith.addf %add3A_128, %bitcast_convert_type3A_142 : vector<64xf32>
        %scan3A_145 = arith.constant 3 : i32
        %scan3A_146 = arith.addi %scan3A_100, %scan3A_145 : i32
        %get3A_147 = arith.index_cast %scan3A_146 : i32 to index
        %get3A_148 = arith.constant 0 : index
        %get3A_149 = tpu.vector_load %arg8[%get3A_147, %get3A_148] {strides = array<i32>} : memref<104x64xi32, #tpu.memory_space<vmem>>, vector<1x64xi32>,
        %get3A_150 = vector.shape_cast %get3A_149 : vector<1x64xi32> to vector<64xi32>
        %shift_left3A_151 = arith.constant 16 : i32
        %shift_left3A_152 = vector.broadcast %shift_left3A_151 : i32 to vector<64xi32>
        %shift_left3A_153 = arith.shli %get3A_150, %shift_left3A_152 : vector<64xi32>
        %bitcast_convert_type3A_154 = tpu.bitcast %shift_left3A_153 : vector<64xi32> -> vector<64xf32>
        %and3A_155 = arith.constant -65536 : i32
        %and3A_156 = vector.broadcast %and3A_155 : i32 to vector<64xi32>
        %and3A_157 = arith.andi %get3A_150, %and3A_156 : vector<64xi32>
        %bitcast_convert_type3A_158 = tpu.bitcast %and3A_157 : vector<64xi32> -> vector<64xf32>
        %add3A_159 = arith.addf %add3A_143, %bitcast_convert_type3A_154 : vector<64xf32>
        %add3A_160 = arith.addf %add3A_144, %bitcast_convert_type3A_158 : vector<64xf32>
        %scan3A_161 = arith.constant 4 : i32
        %scan3A_162 = arith.addi %scan3A_100, %scan3A_161 : i32
        %get3A_163 = arith.index_cast %scan3A_162 : i32 to index
        %get3A_164 = arith.constant 0 : index
        %get3A_165 = tpu.vector_load %arg8[%get3A_163, %get3A_164] {strides = array<i32>} : memref<104x64xi32, #tpu.memory_space<vmem>>, vector<1x64xi32>,
        %get3A_166 = vector.shape_cast %get3A_165 : vector<1x64xi32> to vector<64xi32>
        %shift_left3A_167 = arith.constant 16 : i32
        %shift_left3A_168 = vector.broadcast %shift_left3A_167 : i32 to vector<64xi32>
        %shift_left3A_169 = arith.shli %get3A_166, %shift_left3A_168 : vector<64xi32>
        %bitcast_convert_type3A_170 = tpu.bitcast %shift_left3A_169 : vector<64xi32> -> vector<64xf32>
        %and3A_171 = arith.constant -65536 : i32
        %and3A_172 = vector.broadcast %and3A_171 : i32 to vector<64xi32>
        %and3A_173 = arith.andi %get3A_166, %and3A_172 : vector<64xi32>
        %bitcast_convert_type3A_174 = tpu.bitcast %and3A_173 : vector<64xi32> -> vector<64xf32>
        %add3A_175 = arith.addf %add3A_159, %bitcast_convert_type3A_170 : vector<64xf32>
        %add3A_176 = arith.addf %add3A_160, %bitcast_convert_type3A_174 : vector<64xf32>
        %scan3A_177 = arith.constant 5 : i32
        %scan3A_178 = arith.addi %scan3A_100, %scan3A_177 : i32
        %get3A_179 = arith.index_cast %scan3A_178 : i32 to index
        %get3A_180 = arith.constant 0 : index
        %get3A_181 = tpu.vector_load %arg8[%get3A_179, %get3A_180] {strides = array<i32>} : memref<104x64xi32, #tpu.memory_space<vmem>>, vector<1x64xi32>,
        %get3A_182 = vector.shape_cast %get3A_181 : vector<1x64xi32> to vector<64xi32>
        %shift_left3A_183 = arith.constant 16 : i32
        %shift_left3A_184 = vector.broadcast %shift_left3A_183 : i32 to vector<64xi32>
        %shift_left3A_185 = arith.shli %get3A_182, %shift_left3A_184 : vector<64xi32>
        %bitcast_convert_type3A_186 = tpu.bitcast %shift_left3A_185 : vector<64xi32> -> vector<64xf32>
        %and3A_187 = arith.constant -65536 : i32
        %and3A_188 = vector.broadcast %and3A_187 : i32 to vector<64xi32>
        %and3A_189 = arith.andi %get3A_182, %and3A_188 : vector<64xi32>
        %bitcast_convert_type3A_190 = tpu.bitcast %and3A_189 : vector<64xi32> -> vector<64xf32>
        %add3A_191 = arith.addf %add3A_175, %bitcast_convert_type3A_186 : vector<64xf32>
        %add3A_192 = arith.addf %add3A_176, %bitcast_convert_type3A_190 : vector<64xf32>
        %scan3A_193 = arith.constant 6 : i32
        %scan3A_194 = arith.addi %scan3A_100, %scan3A_193 : i32
        %get3A_195 = arith.index_cast %scan3A_194 : i32 to index
        %get3A_196 = arith.constant 0 : index
        %get3A_197 = tpu.vector_load %arg8[%get3A_195, %get3A_196] {strides = array<i32>} : memref<104x64xi32, #tpu.memory_space<vmem>>, vector<1x64xi32>,
        %get3A_198 = vector.shape_cast %get3A_197 : vector<1x64xi32> to vector<64xi32>
        %shift_left3A_199 = arith.constant 16 : i32
        %shift_left3A_200 = vector.broadcast %shift_left3A_199 : i32 to vector<64xi32>
        %shift_left3A_201 = arith.shli %get3A_198, %shift_left3A_200 : vector<64xi32>
        %bitcast_convert_type3A_202 = tpu.bitcast %shift_left3A_201 : vector<64xi32> -> vector<64xf32>
        %and3A_203 = arith.constant -65536 : i32
        %and3A_204 = vector.broadcast %and3A_203 : i32 to vector<64xi32>
        %and3A_205 = arith.andi %get3A_198, %and3A_204 : vector<64xi32>
        %bitcast_convert_type3A_206 = tpu.bitcast %and3A_205 : vector<64xi32> -> vector<64xf32>
        %add3A_207 = arith.addf %add3A_191, %bitcast_convert_type3A_202 : vector<64xf32>
        %add3A_208 = arith.addf %add3A_192, %bitcast_convert_type3A_206 : vector<64xf32>
        %scan3A_209 = arith.constant 7 : i32
        %scan3A_210 = arith.addi %scan3A_100, %scan3A_209 : i32
        %get3A_211 = arith.index_cast %scan3A_210 : i32 to index
        %get3A_212 = arith.constant 0 : index
        %get3A_213 = tpu.vector_load %arg8[%get3A_211, %get3A_212] {strides = array<i32>} : memref<104x64xi32, #tpu.memory_space<vmem>>, vector<1x64xi32>,
        %get3A_214 = vector.shape_cast %get3A_213 : vector<1x64xi32> to vector<64xi32>
        %shift_left3A_215 = arith.constant 16 : i32
        %shift_left3A_216 = vector.broadcast %shift_left3A_215 : i32 to vector<64xi32>
        %shift_left3A_217 = arith.shli %get3A_214, %shift_left3A_216 : vector<64xi32>
        %bitcast_convert_type3A_218 = tpu.bitcast %shift_left3A_217 : vector<64xi32> -> vector<64xf32>
        %and3A_219 = arith.constant -65536 : i32
        %and3A_220 = vector.broadcast %and3A_219 : i32 to vector<64xi32>
        %and3A_221 = arith.andi %get3A_214, %and3A_220 : vector<64xi32>
        %bitcast_convert_type3A_222 = tpu.bitcast %and3A_221 : vector<64xi32> -> vector<64xf32>
        %add3A_223 = arith.addf %add3A_207, %bitcast_convert_type3A_218 : vector<64xf32>
        %add3A_224 = arith.addf %add3A_208, %bitcast_convert_type3A_222 : vector<64xf32>
        scf.yield %add3A_223, %add3A_224 : vector<64xf32>, vector<64xf32>
      }
      %scan3A_65 = arith.constant 104 : i32
      %add3A_66 = arith.constant 2 : i32
      %add3A_67 = arith.addi %mul3A_53, %add3A_66 : i32
      %lt3A = arith.constant 256 : i32
      %lt3A_68 = arith.cmpi slt, %add3A_67, %lt3A : i32
      %convert_element_type3A = arith.extui %lt3A_68 : i1 to i32
      %cond3A = arith.constant 0 : i32
      %cond3A_69 = arith.cmpi ne, %convert_element_type3A, %cond3A : i32
      scf.if %cond3A_69 {
        %add3A_100 = arith.constant 2 : i32
        %add3A_101 = arith.addi %mul3A_53, %add3A_100 : i32
        %shift_right_arithmetic3A = arith.constant 1 : i32
        %shift_right_arithmetic3A_102 = arith.shrsi %add3A_101, %shift_right_arithmetic3A : i32
        %dma_start3A_103 = arith.constant 0 : i32
        %dma_start3A_104 = tpu.memref_slice %arg6[%shift_right_arithmetic3A_102, %dma_start3A_103] : memref<128x200xi32, #tpu.memory_space<vmem>> -> memref<1x104xi32, #tpu.memory_space<vmem>>
        %dma_start3A_105 = tpu.memref_squeeze %dma_start3A_104 : memref<1x104xi32, #tpu.memory_space<vmem>> -> memref<104xi32, #tpu.memory_space<vmem>>
        %dma_start3A_106 = arith.constant 0 : i32
        %dma_start3A_107 = arith.constant 0 : i32
        %dma_start3A_108 = tpu.memref_slice %arg4[%dma_start3A_106, %dma_start3A_107] : memref<40961x64xi32, #tpu.memory_space<hbm>> -> memref<40961x64xi32, #tpu.memory_space<hbm>>
        tpu.enqueue_indirect_dma source(%dma_start3A_108 : memref<40961x64xi32, #tpu.memory_space<hbm>>) target(%arg8 : memref<104x64xi32, #tpu.memory_space<vmem>>) offsets(%dma_start3A_105 : memref<104xi32, #tpu.memory_space<vmem>>) semaphore(%arg11 : memref<!tpu.dma_semaphore, #tpu.memory_space<semaphore_mem>>)
      } else {
      }
      %dma_wait3A_70 = arith.constant 0 : i32
      %dma_wait3A_71 = arith.constant 104 : i32
      %dma_wait3A_72 = tpu.memref_slice %arg6[%dma_wait3A_70, %dma_wait3A_71] : memref<128x200xi32, #tpu.memory_space<vmem>> -> memref<1x96xi32, #tpu.memory_space<vmem>>
      %dma_wait3A_73 = tpu.memref_squeeze %dma_wait3A_72 : memref<1x96xi32, #tpu.memory_space<vmem>> -> memref<96xi32, #tpu.memory_space<vmem>>
      %dma_wait3A_74 = arith.constant 0 : i32
      %dma_wait3A_75 = arith.constant 0 : i32
      %dma_wait3A_76 = tpu.memref_slice %arg4[%dma_wait3A_74, %dma_wait3A_75] : memref<40961x64xi32, #tpu.memory_space<hbm>> -> memref<40961x64xi32, #tpu.memory_space<hbm>>
      tpu.wait_indirect_dma semaphore(%arg12 : memref<!tpu.dma_semaphore, #tpu.memory_space<semaphore_mem>>) src(%dma_wait3A_76 : memref<40961x64xi32, #tpu.memory_space<hbm>>) dst(%arg9 : memref<96x64xi32, #tpu.memory_space<vmem>>)
      %scan3A_77 = arith.constant 0 : i32
      %scan3A_78 = arith.constant 96 : i32
      %scan3A_79 = arith.addi %scan3A_77, %scan3A_78 : i32
      %scan3A_80 = arith.constant 8 : i32
      %scan3A_81:2 = scf.for %scan3A_100 = %scan3A_77 to %scan3A_79 step %scan3A_80 iter_args(%scan3A_101 = %scan3A_64#0, %scan3A_102 = %scan3A_64#1) -> (vector<64xf32>, vector<64xf32>)  : i32 {
        %get3A = arith.index_cast %scan3A_100 : i32 to index
        %get3A_103 = arith.constant 0 : index
        %get3A_104 = tpu.vector_load %arg9[%get3A, %get3A_103] {strides = array<i32>} : memref<96x64xi32, #tpu.memory_space<vmem>>, vector<1x64xi32>,
        %get3A_105 = vector.shape_cast %get3A_104 : vector<1x64xi32> to vector<64xi32>
        %shift_left3A = arith.constant 16 : i32
        %shift_left3A_106 = vector.broadcast %shift_left3A : i32 to vector<64xi32>
        %shift_left3A_107 = arith.shli %get3A_105, %shift_left3A_106 : vector<64xi32>
        %bitcast_convert_type3A = tpu.bitcast %shift_left3A_107 : vector<64xi32> -> vector<64xf32>
        %and3A = arith.constant -65536 : i32
        %and3A_108 = vector.broadcast %and3A : i32 to vector<64xi32>
        %and3A_109 = arith.andi %get3A_105, %and3A_108 : vector<64xi32>
        %bitcast_convert_type3A_110 = tpu.bitcast %and3A_109 : vector<64xi32> -> vector<64xf32>
        %add3A_111 = arith.addf %scan3A_101, %bitcast_convert_type3A : vector<64xf32>
        %add3A_112 = arith.addf %scan3A_102, %bitcast_convert_type3A_110 : vector<64xf32>
        %scan3A_113 = arith.constant 1 : i32
        %scan3A_114 = arith.addi %scan3A_100, %scan3A_113 : i32
        %get3A_115 = arith.index_cast %scan3A_114 : i32 to index
        %get3A_116 = arith.constant 0 : index
        %get3A_117 = tpu.vector_load %arg9[%get3A_115, %get3A_116] {strides = array<i32>} : memref<96x64xi32, #tpu.memory_space<vmem>>, vector<1x64xi32>,
        %get3A_118 = vector.shape_cast %get3A_117 : vector<1x64xi32> to vector<64xi32>
        %shift_left3A_119 = arith.constant 16 : i32
        %shift_left3A_120 = vector.broadcast %shift_left3A_119 : i32 to vector<64xi32>
        %shift_left3A_121 = arith.shli %get3A_118, %shift_left3A_120 : vector<64xi32>
        %bitcast_convert_type3A_122 = tpu.bitcast %shift_left3A_121 : vector<64xi32> -> vector<64xf32>
        %and3A_123 = arith.constant -65536 : i32
        %and3A_124 = vector.broadcast %and3A_123 : i32 to vector<64xi32>
        %and3A_125 = arith.andi %get3A_118, %and3A_124 : vector<64xi32>
        %bitcast_convert_type3A_126 = tpu.bitcast %and3A_125 : vector<64xi32> -> vector<64xf32>
        %add3A_127 = arith.addf %add3A_111, %bitcast_convert_type3A_122 : vector<64xf32>
        %add3A_128 = arith.addf %add3A_112, %bitcast_convert_type3A_126 : vector<64xf32>
        %scan3A_129 = arith.constant 2 : i32
        %scan3A_130 = arith.addi %scan3A_100, %scan3A_129 : i32
        %get3A_131 = arith.index_cast %scan3A_130 : i32 to index
        %get3A_132 = arith.constant 0 : index
        %get3A_133 = tpu.vector_load %arg9[%get3A_131, %get3A_132] {strides = array<i32>} : memref<96x64xi32, #tpu.memory_space<vmem>>, vector<1x64xi32>,
        %get3A_134 = vector.shape_cast %get3A_133 : vector<1x64xi32> to vector<64xi32>
        %shift_left3A_135 = arith.constant 16 : i32
        %shift_left3A_136 = vector.broadcast %shift_left3A_135 : i32 to vector<64xi32>
        %shift_left3A_137 = arith.shli %get3A_134, %shift_left3A_136 : vector<64xi32>
        %bitcast_convert_type3A_138 = tpu.bitcast %shift_left3A_137 : vector<64xi32> -> vector<64xf32>
        %and3A_139 = arith.constant -65536 : i32
        %and3A_140 = vector.broadcast %and3A_139 : i32 to vector<64xi32>
        %and3A_141 = arith.andi %get3A_134, %and3A_140 : vector<64xi32>
        %bitcast_convert_type3A_142 = tpu.bitcast %and3A_141 : vector<64xi32> -> vector<64xf32>
        %add3A_143 = arith.addf %add3A_127, %bitcast_convert_type3A_138 : vector<64xf32>
        %add3A_144 = arith.addf %add3A_128, %bitcast_convert_type3A_142 : vector<64xf32>
        %scan3A_145 = arith.constant 3 : i32
        %scan3A_146 = arith.addi %scan3A_100, %scan3A_145 : i32
        %get3A_147 = arith.index_cast %scan3A_146 : i32 to index
        %get3A_148 = arith.constant 0 : index
        %get3A_149 = tpu.vector_load %arg9[%get3A_147, %get3A_148] {strides = array<i32>} : memref<96x64xi32, #tpu.memory_space<vmem>>, vector<1x64xi32>,
        %get3A_150 = vector.shape_cast %get3A_149 : vector<1x64xi32> to vector<64xi32>
        %shift_left3A_151 = arith.constant 16 : i32
        %shift_left3A_152 = vector.broadcast %shift_left3A_151 : i32 to vector<64xi32>
        %shift_left3A_153 = arith.shli %get3A_150, %shift_left3A_152 : vector<64xi32>
        %bitcast_convert_type3A_154 = tpu.bitcast %shift_left3A_153 : vector<64xi32> -> vector<64xf32>
        %and3A_155 = arith.constant -65536 : i32
        %and3A_156 = vector.broadcast %and3A_155 : i32 to vector<64xi32>
        %and3A_157 = arith.andi %get3A_150, %and3A_156 : vector<64xi32>
        %bitcast_convert_type3A_158 = tpu.bitcast %and3A_157 : vector<64xi32> -> vector<64xf32>
        %add3A_159 = arith.addf %add3A_143, %bitcast_convert_type3A_154 : vector<64xf32>
        %add3A_160 = arith.addf %add3A_144, %bitcast_convert_type3A_158 : vector<64xf32>
        %scan3A_161 = arith.constant 4 : i32
        %scan3A_162 = arith.addi %scan3A_100, %scan3A_161 : i32
        %get3A_163 = arith.index_cast %scan3A_162 : i32 to index
        %get3A_164 = arith.constant 0 : index
        %get3A_165 = tpu.vector_load %arg9[%get3A_163, %get3A_164] {strides = array<i32>} : memref<96x64xi32, #tpu.memory_space<vmem>>, vector<1x64xi32>,
        %get3A_166 = vector.shape_cast %get3A_165 : vector<1x64xi32> to vector<64xi32>
        %shift_left3A_167 = arith.constant 16 : i32
        %shift_left3A_168 = vector.broadcast %shift_left3A_167 : i32 to vector<64xi32>
        %shift_left3A_169 = arith.shli %get3A_166, %shift_left3A_168 : vector<64xi32>
        %bitcast_convert_type3A_170 = tpu.bitcast %shift_left3A_169 : vector<64xi32> -> vector<64xf32>
        %and3A_171 = arith.constant -65536 : i32
        %and3A_172 = vector.broadcast %and3A_171 : i32 to vector<64xi32>
        %and3A_173 = arith.andi %get3A_166, %and3A_172 : vector<64xi32>
        %bitcast_convert_type3A_174 = tpu.bitcast %and3A_173 : vector<64xi32> -> vector<64xf32>
        %add3A_175 = arith.addf %add3A_159, %bitcast_convert_type3A_170 : vector<64xf32>
        %add3A_176 = arith.addf %add3A_160, %bitcast_convert_type3A_174 : vector<64xf32>
        %scan3A_177 = arith.constant 5 : i32
        %scan3A_178 = arith.addi %scan3A_100, %scan3A_177 : i32
        %get3A_179 = arith.index_cast %scan3A_178 : i32 to index
        %get3A_180 = arith.constant 0 : index
        %get3A_181 = tpu.vector_load %arg9[%get3A_179, %get3A_180] {strides = array<i32>} : memref<96x64xi32, #tpu.memory_space<vmem>>, vector<1x64xi32>,
        %get3A_182 = vector.shape_cast %get3A_181 : vector<1x64xi32> to vector<64xi32>
        %shift_left3A_183 = arith.constant 16 : i32
        %shift_left3A_184 = vector.broadcast %shift_left3A_183 : i32 to vector<64xi32>
        %shift_left3A_185 = arith.shli %get3A_182, %shift_left3A_184 : vector<64xi32>
        %bitcast_convert_type3A_186 = tpu.bitcast %shift_left3A_185 : vector<64xi32> -> vector<64xf32>
        %and3A_187 = arith.constant -65536 : i32
        %and3A_188 = vector.broadcast %and3A_187 : i32 to vector<64xi32>
        %and3A_189 = arith.andi %get3A_182, %and3A_188 : vector<64xi32>
        %bitcast_convert_type3A_190 = tpu.bitcast %and3A_189 : vector<64xi32> -> vector<64xf32>
        %add3A_191 = arith.addf %add3A_175, %bitcast_convert_type3A_186 : vector<64xf32>
        %add3A_192 = arith.addf %add3A_176, %bitcast_convert_type3A_190 : vector<64xf32>
        %scan3A_193 = arith.constant 6 : i32
        %scan3A_194 = arith.addi %scan3A_100, %scan3A_193 : i32
        %get3A_195 = arith.index_cast %scan3A_194 : i32 to index
        %get3A_196 = arith.constant 0 : index
        %get3A_197 = tpu.vector_load %arg9[%get3A_195, %get3A_196] {strides = array<i32>} : memref<96x64xi32, #tpu.memory_space<vmem>>, vector<1x64xi32>,
        %get3A_198 = vector.shape_cast %get3A_197 : vector<1x64xi32> to vector<64xi32>
        %shift_left3A_199 = arith.constant 16 : i32
        %shift_left3A_200 = vector.broadcast %shift_left3A_199 : i32 to vector<64xi32>
        %shift_left3A_201 = arith.shli %get3A_198, %shift_left3A_200 : vector<64xi32>
        %bitcast_convert_type3A_202 = tpu.bitcast %shift_left3A_201 : vector<64xi32> -> vector<64xf32>
        %and3A_203 = arith.constant -65536 : i32
        %and3A_204 = vector.broadcast %and3A_203 : i32 to vector<64xi32>
        %and3A_205 = arith.andi %get3A_198, %and3A_204 : vector<64xi32>
        %bitcast_convert_type3A_206 = tpu.bitcast %and3A_205 : vector<64xi32> -> vector<64xf32>
        %add3A_207 = arith.addf %add3A_191, %bitcast_convert_type3A_202 : vector<64xf32>
        %add3A_208 = arith.addf %add3A_192, %bitcast_convert_type3A_206 : vector<64xf32>
        %scan3A_209 = arith.constant 7 : i32
        %scan3A_210 = arith.addi %scan3A_100, %scan3A_209 : i32
        %get3A_211 = arith.index_cast %scan3A_210 : i32 to index
        %get3A_212 = arith.constant 0 : index
        %get3A_213 = tpu.vector_load %arg9[%get3A_211, %get3A_212] {strides = array<i32>} : memref<96x64xi32, #tpu.memory_space<vmem>>, vector<1x64xi32>,
        %get3A_214 = vector.shape_cast %get3A_213 : vector<1x64xi32> to vector<64xi32>
        %shift_left3A_215 = arith.constant 16 : i32
        %shift_left3A_216 = vector.broadcast %shift_left3A_215 : i32 to vector<64xi32>
        %shift_left3A_217 = arith.shli %get3A_214, %shift_left3A_216 : vector<64xi32>
        %bitcast_convert_type3A_218 = tpu.bitcast %shift_left3A_217 : vector<64xi32> -> vector<64xf32>
        %and3A_219 = arith.constant -65536 : i32
        %and3A_220 = vector.broadcast %and3A_219 : i32 to vector<64xi32>
        %and3A_221 = arith.andi %get3A_214, %and3A_220 : vector<64xi32>
        %bitcast_convert_type3A_222 = tpu.bitcast %and3A_221 : vector<64xi32> -> vector<64xf32>
        %add3A_223 = arith.addf %add3A_207, %bitcast_convert_type3A_218 : vector<64xf32>
        %add3A_224 = arith.addf %add3A_208, %bitcast_convert_type3A_222 : vector<64xf32>
        scf.yield %add3A_223, %add3A_224 : vector<64xf32>, vector<64xf32>
      }
      %scan3A_82 = arith.constant 96 : i32
      %add3A_83 = arith.constant 3 : i32
      %add3A_84 = arith.addi %mul3A_53, %add3A_83 : i32
      %lt3A_85 = arith.constant 256 : i32
      %lt3A_86 = arith.cmpi slt, %add3A_84, %lt3A_85 : i32
      %convert_element_type3A_87 = arith.extui %lt3A_86 : i1 to i32
      %cond3A_88 = arith.constant 0 : i32
      %cond3A_89 = arith.cmpi ne, %convert_element_type3A_87, %cond3A_88 : i32
      scf.if %cond3A_89 {
        %add3A_100 = arith.constant 3 : i32
        %add3A_101 = arith.addi %mul3A_53, %add3A_100 : i32
        %shift_right_arithmetic3A = arith.constant 1 : i32
        %shift_right_arithmetic3A_102 = arith.shrsi %add3A_101, %shift_right_arithmetic3A : i32
        %dma_start3A_103 = arith.constant 104 : i32
        %dma_start3A_104 = tpu.memref_slice %arg6[%shift_right_arithmetic3A_102, %dma_start3A_103] : memref<128x200xi32, #tpu.memory_space<vmem>> -> memref<1x96xi32, #tpu.memory_space<vmem>>
        %dma_start3A_105 = tpu.memref_squeeze %dma_start3A_104 : memref<1x96xi32, #tpu.memory_space<vmem>> -> memref<96xi32, #tpu.memory_space<vmem>>
        %dma_start3A_106 = arith.constant 0 : i32
        %dma_start3A_107 = arith.constant 0 : i32
        %dma_start3A_108 = tpu.memref_slice %arg4[%dma_start3A_106, %dma_start3A_107] : memref<40961x64xi32, #tpu.memory_space<hbm>> -> memref<40961x64xi32, #tpu.memory_space<hbm>>
        tpu.enqueue_indirect_dma source(%dma_start3A_108 : memref<40961x64xi32, #tpu.memory_space<hbm>>) target(%arg9 : memref<96x64xi32, #tpu.memory_space<vmem>>) offsets(%dma_start3A_105 : memref<96xi32, #tpu.memory_space<vmem>>) semaphore(%arg12 : memref<!tpu.dma_semaphore, #tpu.memory_space<semaphore_mem>>)
      } else {
      }
      %swap3A = arith.index_cast %scan3A_50 : i32 to index
      %swap3A_90 = arith.constant 0 : index
      %swap3A_91 = tpu.vector_load %arg10[%swap3A, %swap3A_90] {strides = array<i32>} : memref<128x256xf32, #tpu.memory_space<vmem>>, vector<1x64xf32>,
      %swap3A_92 = vector.shape_cast %swap3A_91 : vector<1x64xf32> to vector<64xf32>
      %swap3A_93 = vector.shape_cast %scan3A_81#0 : vector<64xf32> to vector<1x64xf32>
      tpu.vector_store %arg10[%swap3A, %swap3A_90], %swap3A_93 {strides = array<i32>} : memref<128x256xf32, #tpu.memory_space<vmem>>, vector<1x64xf32>,
      %swap3A_94 = arith.index_cast %scan3A_50 : i32 to index
      %swap3A_95 = arith.constant 64 : index
      %swap3A_96 = tpu.vector_load %arg10[%swap3A_94, %swap3A_95] {strides = array<i32>} : memref<128x256xf32, #tpu.memory_space<vmem>>, vector<1x64xf32>,
      %swap3A_97 = vector.shape_cast %swap3A_96 : vector<1x64xf32> to vector<64xf32>
      %swap3A_98 = vector.shape_cast %scan3A_81#1 : vector<64xf32> to vector<1x64xf32>
      tpu.vector_store %arg10[%swap3A_94, %swap3A_95], %swap3A_98 {strides = array<i32>} : memref<128x256xf32, #tpu.memory_space<vmem>>, vector<1x64xf32>,
      %scan3A_99 = arith.constant 0 : i32
      scf.yield %scan3A_99 : i32
    }
    %scan3A_26 = arith.constant 128 : i32
    %dma_start3A_27 = arith.constant 0 : i32
    %dma_start3A_28 = arith.constant 0 : i32
    %dma_start3A_29 = tpu.memref_slice %arg7[%dma_start3A_27, %dma_start3A_28] : memref<128x200xi32, #tpu.memory_space<vmem>> -> memref<1x104xi32, #tpu.memory_space<vmem>>
    %dma_start3A_30 = tpu.memref_squeeze %dma_start3A_29 : memref<1x104xi32, #tpu.memory_space<vmem>> -> memref<104xi32, #tpu.memory_space<vmem>>
    %dma_start3A_31 = arith.constant 0 : i32
    %dma_start3A_32 = arith.constant 0 : i32
    %dma_start3A_33 = tpu.memref_slice %arg4[%dma_start3A_31, %dma_start3A_32] : memref<40961x64xi32, #tpu.memory_space<hbm>> -> memref<40961x64xi32, #tpu.memory_space<hbm>>
    tpu.enqueue_indirect_dma source(%dma_start3A_33 : memref<40961x64xi32, #tpu.memory_space<hbm>>) target(%arg8 : memref<104x64xi32, #tpu.memory_space<vmem>>) offsets(%dma_start3A_30 : memref<104xi32, #tpu.memory_space<vmem>>) semaphore(%arg11 : memref<!tpu.dma_semaphore, #tpu.memory_space<semaphore_mem>>)
    %dma_start3A_34 = arith.constant 0 : i32
    %dma_start3A_35 = arith.constant 104 : i32
    %dma_start3A_36 = tpu.memref_slice %arg7[%dma_start3A_34, %dma_start3A_35] : memref<128x200xi32, #tpu.memory_space<vmem>> -> memref<1x96xi32, #tpu.memory_space<vmem>>
    %dma_start3A_37 = tpu.memref_squeeze %dma_start3A_36 : memref<1x96xi32, #tpu.memory_space<vmem>> -> memref<96xi32, #tpu.memory_space<vmem>>
    %dma_start3A_38 = arith.constant 0 : i32
    %dma_start3A_39 = arith.constant 0 : i32
    %dma_start3A_40 = tpu.memref_slice %arg4[%dma_start3A_38, %dma_start3A_39] : memref<40961x64xi32, #tpu.memory_space<hbm>> -> memref<40961x64xi32, #tpu.memory_space<hbm>>
    tpu.enqueue_indirect_dma source(%dma_start3A_40 : memref<40961x64xi32, #tpu.memory_space<hbm>>) target(%arg9 : memref<96x64xi32, #tpu.memory_space<vmem>>) offsets(%dma_start3A_37 : memref<96xi32, #tpu.memory_space<vmem>>) semaphore(%arg12 : memref<!tpu.dma_semaphore, #tpu.memory_space<semaphore_mem>>)
    %scan3A_41 = arith.constant 0 : i32
    %scan3A_42 = arith.constant 0 : i32
    %scan3A_43 = arith.constant 128 : i32
    %scan3A_44 = arith.addi %scan3A_42, %scan3A_43 : i32
    %scan3A_45 = arith.constant 1 : i32
    %scan3A_46 = scf.for %scan3A_50 = %scan3A_42 to %scan3A_44 step %scan3A_45 iter_args(%scan3A_51 = %scan3A_41) -> (i32)  : i32 {
      %mul3A_52 = arith.constant 2 : i32
      %mul3A_53 = arith.muli %mul3A_52, %scan3A_50 : i32
      %dma_wait3A = arith.constant 0 : i32
      %dma_wait3A_54 = arith.constant 0 : i32
      %dma_wait3A_55 = tpu.memref_slice %arg6[%dma_wait3A, %dma_wait3A_54] : memref<128x200xi32, #tpu.memory_space<vmem>> -> memref<1x104xi32, #tpu.memory_space<vmem>>
      %dma_wait3A_56 = tpu.memref_squeeze %dma_wait3A_55 : memref<1x104xi32, #tpu.memory_space<vmem>> -> memref<104xi32, #tpu.memory_space<vmem>>
      %dma_wait3A_57 = arith.constant 0 : i32
      %dma_wait3A_58 = arith.constant 0 : i32
      %dma_wait3A_59 = tpu.memref_slice %arg4[%dma_wait3A_57, %dma_wait3A_58] : memref<40961x64xi32, #tpu.memory_space<hbm>> -> memref<40961x64xi32, #tpu.memory_space<hbm>>
      tpu.wait_indirect_dma semaphore(%arg11 : memref<!tpu.dma_semaphore, #tpu.memory_space<semaphore_mem>>) src(%dma_wait3A_59 : memref<40961x64xi32, #tpu.memory_space<hbm>>) dst(%arg8 : memref<104x64xi32, #tpu.memory_space<vmem>>)
      %scan3A_60 = arith.constant 0 : i32
      %scan3A_61 = arith.constant 104 : i32
      %scan3A_62 = arith.addi %scan3A_60, %scan3A_61 : i32
      %scan3A_63 = arith.constant 8 : i32
      %scan3A_64:2 = scf.for %scan3A_100 = %scan3A_60 to %scan3A_62 step %scan3A_63 iter_args(%scan3A_101 = %broadcast_in_dim3A_5, %scan3A_102 = %broadcast_in_dim3A_7) -> (vector<64xf32>, vector<64xf32>)  : i32 {
        %get3A = arith.index_cast %scan3A_100 : i32 to index
        %get3A_103 = arith.constant 0 : index
        %get3A_104 = tpu.vector_load %arg8[%get3A, %get3A_103] {strides = array<i32>} : memref<104x64xi32, #tpu.memory_space<vmem>>, vector<1x64xi32>,
        %get3A_105 = vector.shape_cast %get3A_104 : vector<1x64xi32> to vector<64xi32>
        %shift_left3A = arith.constant 16 : i32
        %shift_left3A_106 = vector.broadcast %shift_left3A : i32 to vector<64xi32>
        %shift_left3A_107 = arith.shli %get3A_105, %shift_left3A_106 : vector<64xi32>
        %bitcast_convert_type3A = tpu.bitcast %shift_left3A_107 : vector<64xi32> -> vector<64xf32>
        %and3A = arith.constant -65536 : i32
        %and3A_108 = vector.broadcast %and3A : i32 to vector<64xi32>
        %and3A_109 = arith.andi %get3A_105, %and3A_108 : vector<64xi32>
        %bitcast_convert_type3A_110 = tpu.bitcast %and3A_109 : vector<64xi32> -> vector<64xf32>
        %add3A_111 = arith.addf %scan3A_101, %bitcast_convert_type3A : vector<64xf32>
        %add3A_112 = arith.addf %scan3A_102, %bitcast_convert_type3A_110 : vector<64xf32>
        %scan3A_113 = arith.constant 1 : i32
        %scan3A_114 = arith.addi %scan3A_100, %scan3A_113 : i32
        %get3A_115 = arith.index_cast %scan3A_114 : i32 to index
        %get3A_116 = arith.constant 0 : index
        %get3A_117 = tpu.vector_load %arg8[%get3A_115, %get3A_116] {strides = array<i32>} : memref<104x64xi32, #tpu.memory_space<vmem>>, vector<1x64xi32>,
        %get3A_118 = vector.shape_cast %get3A_117 : vector<1x64xi32> to vector<64xi32>
        %shift_left3A_119 = arith.constant 16 : i32
        %shift_left3A_120 = vector.broadcast %shift_left3A_119 : i32 to vector<64xi32>
        %shift_left3A_121 = arith.shli %get3A_118, %shift_left3A_120 : vector<64xi32>
        %bitcast_convert_type3A_122 = tpu.bitcast %shift_left3A_121 : vector<64xi32> -> vector<64xf32>
        %and3A_123 = arith.constant -65536 : i32
        %and3A_124 = vector.broadcast %and3A_123 : i32 to vector<64xi32>
        %and3A_125 = arith.andi %get3A_118, %and3A_124 : vector<64xi32>
        %bitcast_convert_type3A_126 = tpu.bitcast %and3A_125 : vector<64xi32> -> vector<64xf32>
        %add3A_127 = arith.addf %add3A_111, %bitcast_convert_type3A_122 : vector<64xf32>
        %add3A_128 = arith.addf %add3A_112, %bitcast_convert_type3A_126 : vector<64xf32>
        %scan3A_129 = arith.constant 2 : i32
        %scan3A_130 = arith.addi %scan3A_100, %scan3A_129 : i32
        %get3A_131 = arith.index_cast %scan3A_130 : i32 to index
        %get3A_132 = arith.constant 0 : index
        %get3A_133 = tpu.vector_load %arg8[%get3A_131, %get3A_132] {strides = array<i32>} : memref<104x64xi32, #tpu.memory_space<vmem>>, vector<1x64xi32>,
        %get3A_134 = vector.shape_cast %get3A_133 : vector<1x64xi32> to vector<64xi32>
        %shift_left3A_135 = arith.constant 16 : i32
        %shift_left3A_136 = vector.broadcast %shift_left3A_135 : i32 to vector<64xi32>
        %shift_left3A_137 = arith.shli %get3A_134, %shift_left3A_136 : vector<64xi32>
        %bitcast_convert_type3A_138 = tpu.bitcast %shift_left3A_137 : vector<64xi32> -> vector<64xf32>
        %and3A_139 = arith.constant -65536 : i32
        %and3A_140 = vector.broadcast %and3A_139 : i32 to vector<64xi32>
        %and3A_141 = arith.andi %get3A_134, %and3A_140 : vector<64xi32>
        %bitcast_convert_type3A_142 = tpu.bitcast %and3A_141 : vector<64xi32> -> vector<64xf32>
        %add3A_143 = arith.addf %add3A_127, %bitcast_convert_type3A_138 : vector<64xf32>
        %add3A_144 = arith.addf %add3A_128, %bitcast_convert_type3A_142 : vector<64xf32>
        %scan3A_145 = arith.constant 3 : i32
        %scan3A_146 = arith.addi %scan3A_100, %scan3A_145 : i32
        %get3A_147 = arith.index_cast %scan3A_146 : i32 to index
        %get3A_148 = arith.constant 0 : index
        %get3A_149 = tpu.vector_load %arg8[%get3A_147, %get3A_148] {strides = array<i32>} : memref<104x64xi32, #tpu.memory_space<vmem>>, vector<1x64xi32>,
        %get3A_150 = vector.shape_cast %get3A_149 : vector<1x64xi32> to vector<64xi32>
        %shift_left3A_151 = arith.constant 16 : i32
        %shift_left3A_152 = vector.broadcast %shift_left3A_151 : i32 to vector<64xi32>
        %shift_left3A_153 = arith.shli %get3A_150, %shift_left3A_152 : vector<64xi32>
        %bitcast_convert_type3A_154 = tpu.bitcast %shift_left3A_153 : vector<64xi32> -> vector<64xf32>
        %and3A_155 = arith.constant -65536 : i32
        %and3A_156 = vector.broadcast %and3A_155 : i32 to vector<64xi32>
        %and3A_157 = arith.andi %get3A_150, %and3A_156 : vector<64xi32>
        %bitcast_convert_type3A_158 = tpu.bitcast %and3A_157 : vector<64xi32> -> vector<64xf32>
        %add3A_159 = arith.addf %add3A_143, %bitcast_convert_type3A_154 : vector<64xf32>
        %add3A_160 = arith.addf %add3A_144, %bitcast_convert_type3A_158 : vector<64xf32>
        %scan3A_161 = arith.constant 4 : i32
        %scan3A_162 = arith.addi %scan3A_100, %scan3A_161 : i32
        %get3A_163 = arith.index_cast %scan3A_162 : i32 to index
        %get3A_164 = arith.constant 0 : index
        %get3A_165 = tpu.vector_load %arg8[%get3A_163, %get3A_164] {strides = array<i32>} : memref<104x64xi32, #tpu.memory_space<vmem>>, vector<1x64xi32>,
        %get3A_166 = vector.shape_cast %get3A_165 : vector<1x64xi32> to vector<64xi32>
        %shift_left3A_167 = arith.constant 16 : i32
        %shift_left3A_168 = vector.broadcast %shift_left3A_167 : i32 to vector<64xi32>
        %shift_left3A_169 = arith.shli %get3A_166, %shift_left3A_168 : vector<64xi32>
        %bitcast_convert_type3A_170 = tpu.bitcast %shift_left3A_169 : vector<64xi32> -> vector<64xf32>
        %and3A_171 = arith.constant -65536 : i32
        %and3A_172 = vector.broadcast %and3A_171 : i32 to vector<64xi32>
        %and3A_173 = arith.andi %get3A_166, %and3A_172 : vector<64xi32>
        %bitcast_convert_type3A_174 = tpu.bitcast %and3A_173 : vector<64xi32> -> vector<64xf32>
        %add3A_175 = arith.addf %add3A_159, %bitcast_convert_type3A_170 : vector<64xf32>
        %add3A_176 = arith.addf %add3A_160, %bitcast_convert_type3A_174 : vector<64xf32>
        %scan3A_177 = arith.constant 5 : i32
        %scan3A_178 = arith.addi %scan3A_100, %scan3A_177 : i32
        %get3A_179 = arith.index_cast %scan3A_178 : i32 to index
        %get3A_180 = arith.constant 0 : index
        %get3A_181 = tpu.vector_load %arg8[%get3A_179, %get3A_180] {strides = array<i32>} : memref<104x64xi32, #tpu.memory_space<vmem>>, vector<1x64xi32>,
        %get3A_182 = vector.shape_cast %get3A_181 : vector<1x64xi32> to vector<64xi32>
        %shift_left3A_183 = arith.constant 16 : i32
        %shift_left3A_184 = vector.broadcast %shift_left3A_183 : i32 to vector<64xi32>
        %shift_left3A_185 = arith.shli %get3A_182, %shift_left3A_184 : vector<64xi32>
        %bitcast_convert_type3A_186 = tpu.bitcast %shift_left3A_185 : vector<64xi32> -> vector<64xf32>
        %and3A_187 = arith.constant -65536 : i32
        %and3A_188 = vector.broadcast %and3A_187 : i32 to vector<64xi32>
        %and3A_189 = arith.andi %get3A_182, %and3A_188 : vector<64xi32>
        %bitcast_convert_type3A_190 = tpu.bitcast %and3A_189 : vector<64xi32> -> vector<64xf32>
        %add3A_191 = arith.addf %add3A_175, %bitcast_convert_type3A_186 : vector<64xf32>
        %add3A_192 = arith.addf %add3A_176, %bitcast_convert_type3A_190 : vector<64xf32>
        %scan3A_193 = arith.constant 6 : i32
        %scan3A_194 = arith.addi %scan3A_100, %scan3A_193 : i32
        %get3A_195 = arith.index_cast %scan3A_194 : i32 to index
        %get3A_196 = arith.constant 0 : index
        %get3A_197 = tpu.vector_load %arg8[%get3A_195, %get3A_196] {strides = array<i32>} : memref<104x64xi32, #tpu.memory_space<vmem>>, vector<1x64xi32>,
        %get3A_198 = vector.shape_cast %get3A_197 : vector<1x64xi32> to vector<64xi32>
        %shift_left3A_199 = arith.constant 16 : i32
        %shift_left3A_200 = vector.broadcast %shift_left3A_199 : i32 to vector<64xi32>
        %shift_left3A_201 = arith.shli %get3A_198, %shift_left3A_200 : vector<64xi32>
        %bitcast_convert_type3A_202 = tpu.bitcast %shift_left3A_201 : vector<64xi32> -> vector<64xf32>
        %and3A_203 = arith.constant -65536 : i32
        %and3A_204 = vector.broadcast %and3A_203 : i32 to vector<64xi32>
        %and3A_205 = arith.andi %get3A_198, %and3A_204 : vector<64xi32>
        %bitcast_convert_type3A_206 = tpu.bitcast %and3A_205 : vector<64xi32> -> vector<64xf32>
        %add3A_207 = arith.addf %add3A_191, %bitcast_convert_type3A_202 : vector<64xf32>
        %add3A_208 = arith.addf %add3A_192, %bitcast_convert_type3A_206 : vector<64xf32>
        %scan3A_209 = arith.constant 7 : i32
        %scan3A_210 = arith.addi %scan3A_100, %scan3A_209 : i32
        %get3A_211 = arith.index_cast %scan3A_210 : i32 to index
        %get3A_212 = arith.constant 0 : index
        %get3A_213 = tpu.vector_load %arg8[%get3A_211, %get3A_212] {strides = array<i32>} : memref<104x64xi32, #tpu.memory_space<vmem>>, vector<1x64xi32>,
        %get3A_214 = vector.shape_cast %get3A_213 : vector<1x64xi32> to vector<64xi32>
        %shift_left3A_215 = arith.constant 16 : i32
        %shift_left3A_216 = vector.broadcast %shift_left3A_215 : i32 to vector<64xi32>
        %shift_left3A_217 = arith.shli %get3A_214, %shift_left3A_216 : vector<64xi32>
        %bitcast_convert_type3A_218 = tpu.bitcast %shift_left3A_217 : vector<64xi32> -> vector<64xf32>
        %and3A_219 = arith.constant -65536 : i32
        %and3A_220 = vector.broadcast %and3A_219 : i32 to vector<64xi32>
        %and3A_221 = arith.andi %get3A_214, %and3A_220 : vector<64xi32>
        %bitcast_convert_type3A_222 = tpu.bitcast %and3A_221 : vector<64xi32> -> vector<64xf32>
        %add3A_223 = arith.addf %add3A_207, %bitcast_convert_type3A_218 : vector<64xf32>
        %add3A_224 = arith.addf %add3A_208, %bitcast_convert_type3A_222 : vector<64xf32>
        scf.yield %add3A_223, %add3A_224 : vector<64xf32>, vector<64xf32>
      }
      %scan3A_65 = arith.constant 104 : i32
      %add3A_66 = arith.constant 2 : i32
      %add3A_67 = arith.addi %mul3A_53, %add3A_66 : i32
      %lt3A = arith.constant 256 : i32
      %lt3A_68 = arith.cmpi slt, %add3A_67, %lt3A : i32
      %convert_element_type3A = arith.extui %lt3A_68 : i1 to i32
      %cond3A = arith.constant 0 : i32
      %cond3A_69 = arith.cmpi ne, %convert_element_type3A, %cond3A : i32
      scf.if %cond3A_69 {
        %add3A_100 = arith.constant 2 : i32
        %add3A_101 = arith.addi %mul3A_53, %add3A_100 : i32
        %shift_right_arithmetic3A = arith.constant 1 : i32
        %shift_right_arithmetic3A_102 = arith.shrsi %add3A_101, %shift_right_arithmetic3A : i32
        %dma_start3A_103 = arith.constant 0 : i32
        %dma_start3A_104 = tpu.memref_slice %arg7[%shift_right_arithmetic3A_102, %dma_start3A_103] : memref<128x200xi32, #tpu.memory_space<vmem>> -> memref<1x104xi32, #tpu.memory_space<vmem>>
        %dma_start3A_105 = tpu.memref_squeeze %dma_start3A_104 : memref<1x104xi32, #tpu.memory_space<vmem>> -> memref<104xi32, #tpu.memory_space<vmem>>
        %dma_start3A_106 = arith.constant 0 : i32
        %dma_start3A_107 = arith.constant 0 : i32
        %dma_start3A_108 = tpu.memref_slice %arg4[%dma_start3A_106, %dma_start3A_107] : memref<40961x64xi32, #tpu.memory_space<hbm>> -> memref<40961x64xi32, #tpu.memory_space<hbm>>
        tpu.enqueue_indirect_dma source(%dma_start3A_108 : memref<40961x64xi32, #tpu.memory_space<hbm>>) target(%arg8 : memref<104x64xi32, #tpu.memory_space<vmem>>) offsets(%dma_start3A_105 : memref<104xi32, #tpu.memory_space<vmem>>) semaphore(%arg11 : memref<!tpu.dma_semaphore, #tpu.memory_space<semaphore_mem>>)
      } else {
      }
      %dma_wait3A_70 = arith.constant 0 : i32
      %dma_wait3A_71 = arith.constant 104 : i32
      %dma_wait3A_72 = tpu.memref_slice %arg6[%dma_wait3A_70, %dma_wait3A_71] : memref<128x200xi32, #tpu.memory_space<vmem>> -> memref<1x96xi32, #tpu.memory_space<vmem>>
      %dma_wait3A_73 = tpu.memref_squeeze %dma_wait3A_72 : memref<1x96xi32, #tpu.memory_space<vmem>> -> memref<96xi32, #tpu.memory_space<vmem>>
      %dma_wait3A_74 = arith.constant 0 : i32
      %dma_wait3A_75 = arith.constant 0 : i32
      %dma_wait3A_76 = tpu.memref_slice %arg4[%dma_wait3A_74, %dma_wait3A_75] : memref<40961x64xi32, #tpu.memory_space<hbm>> -> memref<40961x64xi32, #tpu.memory_space<hbm>>
      tpu.wait_indirect_dma semaphore(%arg12 : memref<!tpu.dma_semaphore, #tpu.memory_space<semaphore_mem>>) src(%dma_wait3A_76 : memref<40961x64xi32, #tpu.memory_space<hbm>>) dst(%arg9 : memref<96x64xi32, #tpu.memory_space<vmem>>)
      %scan3A_77 = arith.constant 0 : i32
      %scan3A_78 = arith.constant 96 : i32
      %scan3A_79 = arith.addi %scan3A_77, %scan3A_78 : i32
      %scan3A_80 = arith.constant 8 : i32
      %scan3A_81:2 = scf.for %scan3A_100 = %scan3A_77 to %scan3A_79 step %scan3A_80 iter_args(%scan3A_101 = %scan3A_64#0, %scan3A_102 = %scan3A_64#1) -> (vector<64xf32>, vector<64xf32>)  : i32 {
        %get3A = arith.index_cast %scan3A_100 : i32 to index
        %get3A_103 = arith.constant 0 : index
        %get3A_104 = tpu.vector_load %arg9[%get3A, %get3A_103] {strides = array<i32>} : memref<96x64xi32, #tpu.memory_space<vmem>>, vector<1x64xi32>,
        %get3A_105 = vector.shape_cast %get3A_104 : vector<1x64xi32> to vector<64xi32>
        %shift_left3A = arith.constant 16 : i32
        %shift_left3A_106 = vector.broadcast %shift_left3A : i32 to vector<64xi32>
        %shift_left3A_107 = arith.shli %get3A_105, %shift_left3A_106 : vector<64xi32>
        %bitcast_convert_type3A = tpu.bitcast %shift_left3A_107 : vector<64xi32> -> vector<64xf32>
        %and3A = arith.constant -65536 : i32
        %and3A_108 = vector.broadcast %and3A : i32 to vector<64xi32>
        %and3A_109 = arith.andi %get3A_105, %and3A_108 : vector<64xi32>
        %bitcast_convert_type3A_110 = tpu.bitcast %and3A_109 : vector<64xi32> -> vector<64xf32>
        %add3A_111 = arith.addf %scan3A_101, %bitcast_convert_type3A : vector<64xf32>
        %add3A_112 = arith.addf %scan3A_102, %bitcast_convert_type3A_110 : vector<64xf32>
        %scan3A_113 = arith.constant 1 : i32
        %scan3A_114 = arith.addi %scan3A_100, %scan3A_113 : i32
        %get3A_115 = arith.index_cast %scan3A_114 : i32 to index
        %get3A_116 = arith.constant 0 : index
        %get3A_117 = tpu.vector_load %arg9[%get3A_115, %get3A_116] {strides = array<i32>} : memref<96x64xi32, #tpu.memory_space<vmem>>, vector<1x64xi32>,
        %get3A_118 = vector.shape_cast %get3A_117 : vector<1x64xi32> to vector<64xi32>
        %shift_left3A_119 = arith.constant 16 : i32
        %shift_left3A_120 = vector.broadcast %shift_left3A_119 : i32 to vector<64xi32>
        %shift_left3A_121 = arith.shli %get3A_118, %shift_left3A_120 : vector<64xi32>
        %bitcast_convert_type3A_122 = tpu.bitcast %shift_left3A_121 : vector<64xi32> -> vector<64xf32>
        %and3A_123 = arith.constant -65536 : i32
        %and3A_124 = vector.broadcast %and3A_123 : i32 to vector<64xi32>
        %and3A_125 = arith.andi %get3A_118, %and3A_124 : vector<64xi32>
        %bitcast_convert_type3A_126 = tpu.bitcast %and3A_125 : vector<64xi32> -> vector<64xf32>
        %add3A_127 = arith.addf %add3A_111, %bitcast_convert_type3A_122 : vector<64xf32>
        %add3A_128 = arith.addf %add3A_112, %bitcast_convert_type3A_126 : vector<64xf32>
        %scan3A_129 = arith.constant 2 : i32
        %scan3A_130 = arith.addi %scan3A_100, %scan3A_129 : i32
        %get3A_131 = arith.index_cast %scan3A_130 : i32 to index
        %get3A_132 = arith.constant 0 : index
        %get3A_133 = tpu.vector_load %arg9[%get3A_131, %get3A_132] {strides = array<i32>} : memref<96x64xi32, #tpu.memory_space<vmem>>, vector<1x64xi32>,
        %get3A_134 = vector.shape_cast %get3A_133 : vector<1x64xi32> to vector<64xi32>
        %shift_left3A_135 = arith.constant 16 : i32
        %shift_left3A_136 = vector.broadcast %shift_left3A_135 : i32 to vector<64xi32>
        %shift_left3A_137 = arith.shli %get3A_134, %shift_left3A_136 : vector<64xi32>
        %bitcast_convert_type3A_138 = tpu.bitcast %shift_left3A_137 : vector<64xi32> -> vector<64xf32>
        %and3A_139 = arith.constant -65536 : i32
        %and3A_140 = vector.broadcast %and3A_139 : i32 to vector<64xi32>
        %and3A_141 = arith.andi %get3A_134, %and3A_140 : vector<64xi32>
        %bitcast_convert_type3A_142 = tpu.bitcast %and3A_141 : vector<64xi32> -> vector<64xf32>
        %add3A_143 = arith.addf %add3A_127, %bitcast_convert_type3A_138 : vector<64xf32>
        %add3A_144 = arith.addf %add3A_128, %bitcast_convert_type3A_142 : vector<64xf32>
        %scan3A_145 = arith.constant 3 : i32
        %scan3A_146 = arith.addi %scan3A_100, %scan3A_145 : i32
        %get3A_147 = arith.index_cast %scan3A_146 : i32 to index
        %get3A_148 = arith.constant 0 : index
        %get3A_149 = tpu.vector_load %arg9[%get3A_147, %get3A_148] {strides = array<i32>} : memref<96x64xi32, #tpu.memory_space<vmem>>, vector<1x64xi32>,
        %get3A_150 = vector.shape_cast %get3A_149 : vector<1x64xi32> to vector<64xi32>
        %shift_left3A_151 = arith.constant 16 : i32
        %shift_left3A_152 = vector.broadcast %shift_left3A_151 : i32 to vector<64xi32>
        %shift_left3A_153 = arith.shli %get3A_150, %shift_left3A_152 : vector<64xi32>
        %bitcast_convert_type3A_154 = tpu.bitcast %shift_left3A_153 : vector<64xi32> -> vector<64xf32>
        %and3A_155 = arith.constant -65536 : i32
        %and3A_156 = vector.broadcast %and3A_155 : i32 to vector<64xi32>
        %and3A_157 = arith.andi %get3A_150, %and3A_156 : vector<64xi32>
        %bitcast_convert_type3A_158 = tpu.bitcast %and3A_157 : vector<64xi32> -> vector<64xf32>
        %add3A_159 = arith.addf %add3A_143, %bitcast_convert_type3A_154 : vector<64xf32>
        %add3A_160 = arith.addf %add3A_144, %bitcast_convert_type3A_158 : vector<64xf32>
        %scan3A_161 = arith.constant 4 : i32
        %scan3A_162 = arith.addi %scan3A_100, %scan3A_161 : i32
        %get3A_163 = arith.index_cast %scan3A_162 : i32 to index
        %get3A_164 = arith.constant 0 : index
        %get3A_165 = tpu.vector_load %arg9[%get3A_163, %get3A_164] {strides = array<i32>} : memref<96x64xi32, #tpu.memory_space<vmem>>, vector<1x64xi32>,
        %get3A_166 = vector.shape_cast %get3A_165 : vector<1x64xi32> to vector<64xi32>
        %shift_left3A_167 = arith.constant 16 : i32
        %shift_left3A_168 = vector.broadcast %shift_left3A_167 : i32 to vector<64xi32>
        %shift_left3A_169 = arith.shli %get3A_166, %shift_left3A_168 : vector<64xi32>
        %bitcast_convert_type3A_170 = tpu.bitcast %shift_left3A_169 : vector<64xi32> -> vector<64xf32>
        %and3A_171 = arith.constant -65536 : i32
        %and3A_172 = vector.broadcast %and3A_171 : i32 to vector<64xi32>
        %and3A_173 = arith.andi %get3A_166, %and3A_172 : vector<64xi32>
        %bitcast_convert_type3A_174 = tpu.bitcast %and3A_173 : vector<64xi32> -> vector<64xf32>
        %add3A_175 = arith.addf %add3A_159, %bitcast_convert_type3A_170 : vector<64xf32>
        %add3A_176 = arith.addf %add3A_160, %bitcast_convert_type3A_174 : vector<64xf32>
        %scan3A_177 = arith.constant 5 : i32
        %scan3A_178 = arith.addi %scan3A_100, %scan3A_177 : i32
        %get3A_179 = arith.index_cast %scan3A_178 : i32 to index
        %get3A_180 = arith.constant 0 : index
        %get3A_181 = tpu.vector_load %arg9[%get3A_179, %get3A_180] {strides = array<i32>} : memref<96x64xi32, #tpu.memory_space<vmem>>, vector<1x64xi32>,
        %get3A_182 = vector.shape_cast %get3A_181 : vector<1x64xi32> to vector<64xi32>
        %shift_left3A_183 = arith.constant 16 : i32
        %shift_left3A_184 = vector.broadcast %shift_left3A_183 : i32 to vector<64xi32>
        %shift_left3A_185 = arith.shli %get3A_182, %shift_left3A_184 : vector<64xi32>
        %bitcast_convert_type3A_186 = tpu.bitcast %shift_left3A_185 : vector<64xi32> -> vector<64xf32>
        %and3A_187 = arith.constant -65536 : i32
        %and3A_188 = vector.broadcast %and3A_187 : i32 to vector<64xi32>
        %and3A_189 = arith.andi %get3A_182, %and3A_188 : vector<64xi32>
        %bitcast_convert_type3A_190 = tpu.bitcast %and3A_189 : vector<64xi32> -> vector<64xf32>
        %add3A_191 = arith.addf %add3A_175, %bitcast_convert_type3A_186 : vector<64xf32>
        %add3A_192 = arith.addf %add3A_176, %bitcast_convert_type3A_190 : vector<64xf32>
        %scan3A_193 = arith.constant 6 : i32
        %scan3A_194 = arith.addi %scan3A_100, %scan3A_193 : i32
        %get3A_195 = arith.index_cast %scan3A_194 : i32 to index
        %get3A_196 = arith.constant 0 : index
        %get3A_197 = tpu.vector_load %arg9[%get3A_195, %get3A_196] {strides = array<i32>} : memref<96x64xi32, #tpu.memory_space<vmem>>, vector<1x64xi32>,
        %get3A_198 = vector.shape_cast %get3A_197 : vector<1x64xi32> to vector<64xi32>
        %shift_left3A_199 = arith.constant 16 : i32
        %shift_left3A_200 = vector.broadcast %shift_left3A_199 : i32 to vector<64xi32>
        %shift_left3A_201 = arith.shli %get3A_198, %shift_left3A_200 : vector<64xi32>
        %bitcast_convert_type3A_202 = tpu.bitcast %shift_left3A_201 : vector<64xi32> -> vector<64xf32>
        %and3A_203 = arith.constant -65536 : i32
        %and3A_204 = vector.broadcast %and3A_203 : i32 to vector<64xi32>
        %and3A_205 = arith.andi %get3A_198, %and3A_204 : vector<64xi32>
        %bitcast_convert_type3A_206 = tpu.bitcast %and3A_205 : vector<64xi32> -> vector<64xf32>
        %add3A_207 = arith.addf %add3A_191, %bitcast_convert_type3A_202 : vector<64xf32>
        %add3A_208 = arith.addf %add3A_192, %bitcast_convert_type3A_206 : vector<64xf32>
        %scan3A_209 = arith.constant 7 : i32
        %scan3A_210 = arith.addi %scan3A_100, %scan3A_209 : i32
        %get3A_211 = arith.index_cast %scan3A_210 : i32 to index
        %get3A_212 = arith.constant 0 : index
        %get3A_213 = tpu.vector_load %arg9[%get3A_211, %get3A_212] {strides = array<i32>} : memref<96x64xi32, #tpu.memory_space<vmem>>, vector<1x64xi32>,
        %get3A_214 = vector.shape_cast %get3A_213 : vector<1x64xi32> to vector<64xi32>
        %shift_left3A_215 = arith.constant 16 : i32
        %shift_left3A_216 = vector.broadcast %shift_left3A_215 : i32 to vector<64xi32>
        %shift_left3A_217 = arith.shli %get3A_214, %shift_left3A_216 : vector<64xi32>
        %bitcast_convert_type3A_218 = tpu.bitcast %shift_left3A_217 : vector<64xi32> -> vector<64xf32>
        %and3A_219 = arith.constant -65536 : i32
        %and3A_220 = vector.broadcast %and3A_219 : i32 to vector<64xi32>
        %and3A_221 = arith.andi %get3A_214, %and3A_220 : vector<64xi32>
        %bitcast_convert_type3A_222 = tpu.bitcast %and3A_221 : vector<64xi32> -> vector<64xf32>
        %add3A_223 = arith.addf %add3A_207, %bitcast_convert_type3A_218 : vector<64xf32>
        %add3A_224 = arith.addf %add3A_208, %bitcast_convert_type3A_222 : vector<64xf32>
        scf.yield %add3A_223, %add3A_224 : vector<64xf32>, vector<64xf32>
      }
      %scan3A_82 = arith.constant 96 : i32
      %add3A_83 = arith.constant 3 : i32
      %add3A_84 = arith.addi %mul3A_53, %add3A_83 : i32
      %lt3A_85 = arith.constant 256 : i32
      %lt3A_86 = arith.cmpi slt, %add3A_84, %lt3A_85 : i32
      %convert_element_type3A_87 = arith.extui %lt3A_86 : i1 to i32
      %cond3A_88 = arith.constant 0 : i32
      %cond3A_89 = arith.cmpi ne, %convert_element_type3A_87, %cond3A_88 : i32
      scf.if %cond3A_89 {
        %add3A_100 = arith.constant 3 : i32
        %add3A_101 = arith.addi %mul3A_53, %add3A_100 : i32
        %shift_right_arithmetic3A = arith.constant 1 : i32
        %shift_right_arithmetic3A_102 = arith.shrsi %add3A_101, %shift_right_arithmetic3A : i32
        %dma_start3A_103 = arith.constant 104 : i32
        %dma_start3A_104 = tpu.memref_slice %arg7[%shift_right_arithmetic3A_102, %dma_start3A_103] : memref<128x200xi32, #tpu.memory_space<vmem>> -> memref<1x96xi32, #tpu.memory_space<vmem>>
        %dma_start3A_105 = tpu.memref_squeeze %dma_start3A_104 : memref<1x96xi32, #tpu.memory_space<vmem>> -> memref<96xi32, #tpu.memory_space<vmem>>
        %dma_start3A_106 = arith.constant 0 : i32
        %dma_start3A_107 = arith.constant 0 : i32
        %dma_start3A_108 = tpu.memref_slice %arg4[%dma_start3A_106, %dma_start3A_107] : memref<40961x64xi32, #tpu.memory_space<hbm>> -> memref<40961x64xi32, #tpu.memory_space<hbm>>
        tpu.enqueue_indirect_dma source(%dma_start3A_108 : memref<40961x64xi32, #tpu.memory_space<hbm>>) target(%arg9 : memref<96x64xi32, #tpu.memory_space<vmem>>) offsets(%dma_start3A_105 : memref<96xi32, #tpu.memory_space<vmem>>) semaphore(%arg12 : memref<!tpu.dma_semaphore, #tpu.memory_space<semaphore_mem>>)
      } else {
      }
      %swap3A = arith.index_cast %scan3A_50 : i32 to index
      %swap3A_90 = arith.constant 128 : index
      %swap3A_91 = tpu.vector_load %arg10[%swap3A, %swap3A_90] {strides = array<i32>} : memref<128x256xf32, #tpu.memory_space<vmem>>, vector<1x64xf32>,
      %swap3A_92 = vector.shape_cast %swap3A_91 : vector<1x64xf32> to vector<64xf32>
      %swap3A_93 = vector.shape_cast %scan3A_81#0 : vector<64xf32> to vector<1x64xf32>
      tpu.vector_store %arg10[%swap3A, %swap3A_90], %swap3A_93 {strides = array<i32>} : memref<128x256xf32, #tpu.memory_space<vmem>>, vector<1x64xf32>,
      %swap3A_94 = arith.index_cast %scan3A_50 : i32 to index
      %swap3A_95 = arith.constant 192 : index
      %swap3A_96 = tpu.vector_load %arg10[%swap3A_94, %swap3A_95] {strides = array<i32>} : memref<128x256xf32, #tpu.memory_space<vmem>>, vector<1x64xf32>,
      %swap3A_97 = vector.shape_cast %swap3A_96 : vector<1x64xf32> to vector<64xf32>
      %swap3A_98 = vector.shape_cast %scan3A_81#1 : vector<64xf32> to vector<1x64xf32>
      tpu.vector_store %arg10[%swap3A_94, %swap3A_95], %swap3A_98 {strides = array<i32>} : memref<128x256xf32, #tpu.memory_space<vmem>>, vector<1x64xf32>,
      %scan3A_99 = arith.constant 0 : i32
      scf.yield %scan3A_99 : i32
    }
    %scan3A_47 = arith.constant 128 : i32
    %mul3A_48 = arith.constant 128 : i32
    %mul3A_49 = arith.muli %add3A, %mul3A_48 : i32
    "tpu.region"() ({
      %run_scoped3A = tpu.sem_alloc : memref<!tpu.dma_semaphore, #tpu.memory_space<semaphore_mem>>
      %dma_start3A_50 = arith.constant 0 : i32
      %dma_start3A_51 = tpu.memref_slice %arg5[%mul3A_49, %dma_start3A_50] : memref<4096x256xf32, #tpu.memory_space<hbm>> -> memref<128x256xf32, #tpu.memory_space<hbm>>
      %dma_start3A_52 = arith.constant 0 : i32
      %dma_start3A_53 = tpu.memref_slice %arg5[%mul3A_49, %dma_start3A_52] : memref<4096x256xf32, #tpu.memory_space<hbm>> -> memref<128x256xf32, #tpu.memory_space<hbm>>
      tpu.enqueue_dma source(%arg10 : memref<128x256xf32, #tpu.memory_space<vmem>>) target(%dma_start3A_53 : memref<128x256xf32, #tpu.memory_space<hbm>>) target_semaphore(%run_scoped3A : memref<!tpu.dma_semaphore, #tpu.memory_space<semaphore_mem>>)
      %dma_wait3A = arith.constant 0 : i32
      %dma_wait3A_54 = tpu.memref_slice %arg5[%mul3A_49, %dma_wait3A] : memref<4096x256xf32, #tpu.memory_space<hbm>> -> memref<128x256xf32, #tpu.memory_space<hbm>>
      %dma_wait3A_55 = arith.constant 0 : i32
      %dma_wait3A_56 = tpu.memref_slice %arg5[%mul3A_49, %dma_wait3A_55] : memref<4096x256xf32, #tpu.memory_space<hbm>> -> memref<128x256xf32, #tpu.memory_space<hbm>>
      tpu.wait_dma2 semaphore(%run_scoped3A : memref<!tpu.dma_semaphore, #tpu.memory_space<semaphore_mem>>) src(%arg10 : memref<128x256xf32, #tpu.memory_space<vmem>>) dst(%dma_wait3A_56 : memref<128x256xf32, #tpu.memory_space<hbm>>)
      tpu.yield
    }) : () -> ()
    return
  }
}

module attributes {stable_mosaic.version = 14 : i64} {
  func.func @body(%arg0: i32, %arg1: memref<512x256xf32, #tpu.memory_space<vmem>>, %arg2: memref<256x4096xf32, #tpu.memory_space<vmem>>, %arg3: memref<1x4096xf32, #tpu.memory_space<vmem>>, %arg4: memref<256x128xf32, #tpu.memory_space<vmem>>, %arg5: memref<1x128xf32, #tpu.memory_space<vmem>>, %arg6: memref<128x128xf32, #tpu.memory_space<vmem>>, %arg7: memref<1x128xf32, #tpu.memory_space<vmem>>, %arg8: memref<128x128xf32, #tpu.memory_space<vmem>>, %arg9: memref<1x128xf32, #tpu.memory_space<vmem>>, %arg10: memref<512x4096xf32, #tpu.memory_space<vmem>>, %arg11: memref<512x128xf32, #tpu.memory_space<vmem>>) attributes {dimension_semantics = [#tpu.dimension_semantics<arbitrary>], iteration_bounds = array<i64: 8>, scalar_prefetch = 0 : i64, scratch_operands = 0 : i64, tpu.core_type = #tpu.core_type<tc>, window_params = [{transform_indices = @transform_0, window_bounds = array<i64: 512, 256>}, {pipeline_mode = #tpu.pipeline_mode<synchronous>, transform_indices = @transform_1, window_bounds = array<i64: 256, 4096>}, {pipeline_mode = #tpu.pipeline_mode<synchronous>, transform_indices = @transform_2, window_bounds = array<i64: 1, 4096>}, {pipeline_mode = #tpu.pipeline_mode<synchronous>, transform_indices = @transform_3, window_bounds = array<i64: 256, 128>}, {pipeline_mode = #tpu.pipeline_mode<synchronous>, transform_indices = @transform_4, window_bounds = array<i64: 1, 128>}, {pipeline_mode = #tpu.pipeline_mode<synchronous>, transform_indices = @transform_5, window_bounds = array<i64: 128, 128>}, {pipeline_mode = #tpu.pipeline_mode<synchronous>, transform_indices = @transform_6, window_bounds = array<i64: 1, 128>}, {pipeline_mode = #tpu.pipeline_mode<synchronous>, transform_indices = @transform_7, window_bounds = array<i64: 128, 128>}, {pipeline_mode = #tpu.pipeline_mode<synchronous>, transform_indices = @transform_8, window_bounds = array<i64: 1, 128>}, {transform_indices = @transform_9, window_bounds = array<i64: 512, 4096>}, {transform_indices = @transform_10, window_bounds = array<i64: 512, 128>}]} {
    %get3A = arith.constant 0 : index
    %get3A_0 = arith.constant 0 : index
    %get3A_1 = vector.load %arg1[%get3A, %get3A_0] : memref<512x256xf32, #tpu.memory_space<vmem>>, vector<512x256xf32>
    %max3A = arith.constant 0.000000e+00 : f32
    %max3A_2 = vector.broadcast %max3A : f32 to vector<512x256xf32>
    %max3A_3 = arith.maximumf %get3A_1, %max3A_2 : vector<512x256xf32>
    %get3A_4 = arith.constant 0 : index
    %get3A_5 = arith.constant 0 : index
    %get3A_6 = vector.load %arg2[%get3A_4, %get3A_5] : memref<256x4096xf32, #tpu.memory_space<vmem>>, vector<256x4096xf32>
    %dot_general3A = arith.constant dense<0.000000e+00> : vector<512x4096xf32>
    %dot_general3A_7 = tpu.matmul %max3A_3, %get3A_6, %dot_general3A {dimension_numbers = #tpu.dot_dimension_numbers<[1], [0], [0], [1], [0, 0, 1, 1], [], []>, transpose_lhs_hint = false} : vector<512x256xf32>, vector<256x4096xf32>, vector<512x4096xf32> -> vector<512x4096xf32>
    %get3A_8 = arith.constant 0 : index
    %get3A_9 = arith.constant 0 : index
    %get3A_10 = vector.load %arg3[%get3A_8, %get3A_9] : memref<1x4096xf32, #tpu.memory_space<vmem>>, vector<1x4096xf32>
    %add3A = vector.broadcast %get3A_10 : vector<1x4096xf32> to vector<512x4096xf32>
    %add3A_11 = arith.addf %dot_general3A_7, %add3A : vector<512x4096xf32>
    %swap3A = arith.constant 0 : index
    %swap3A_12 = arith.constant 0 : index
    %swap3A_13 = vector.load %arg10[%swap3A, %swap3A_12] : memref<512x4096xf32, #tpu.memory_space<vmem>>, vector<512x4096xf32>
    tpu.vector_store %arg10[%swap3A, %swap3A_12], %add3A_11 {strides = array<i32>} : memref<512x4096xf32, #tpu.memory_space<vmem>>, vector<512x4096xf32>,
    %get3A_14 = arith.constant 0 : index
    %get3A_15 = arith.constant 0 : index
    %get3A_16 = vector.load %arg4[%get3A_14, %get3A_15] : memref<256x128xf32, #tpu.memory_space<vmem>>, vector<256x128xf32>
    %dot_general3A_17 = arith.constant dense<0.000000e+00> : vector<512x128xf32>
    %dot_general3A_18 = tpu.matmul %max3A_3, %get3A_16, %dot_general3A_17 {dimension_numbers = #tpu.dot_dimension_numbers<[1], [0], [0], [1], [0, 0, 1, 1], [], []>, transpose_lhs_hint = false} : vector<512x256xf32>, vector<256x128xf32>, vector<512x128xf32> -> vector<512x128xf32>
    %get3A_19 = arith.constant 0 : index
    %get3A_20 = arith.constant 0 : index
    %get3A_21 = vector.load %arg5[%get3A_19, %get3A_20] : memref<1x128xf32, #tpu.memory_space<vmem>>, vector<1x128xf32>
    %add3A_22 = vector.broadcast %get3A_21 : vector<1x128xf32> to vector<512x128xf32>
    %add3A_23 = arith.addf %dot_general3A_18, %add3A_22 : vector<512x128xf32>
    %max3A_24 = arith.constant 0.000000e+00 : f32
    %max3A_25 = vector.broadcast %max3A_24 : f32 to vector<512x128xf32>
    %max3A_26 = arith.maximumf %add3A_23, %max3A_25 : vector<512x128xf32>
    %get3A_27 = arith.constant 0 : index
    %get3A_28 = arith.constant 0 : index
    %get3A_29 = vector.load %arg6[%get3A_27, %get3A_28] : memref<128x128xf32, #tpu.memory_space<vmem>>, vector<128x128xf32>
    %dot_general3A_30 = arith.constant dense<0.000000e+00> : vector<512x128xf32>
    %dot_general3A_31 = tpu.matmul %max3A_26, %get3A_29, %dot_general3A_30 {dimension_numbers = #tpu.dot_dimension_numbers<[1], [0], [0], [1], [0, 0, 1, 1], [], []>, transpose_lhs_hint = false} : vector<512x128xf32>, vector<128x128xf32>, vector<512x128xf32> -> vector<512x128xf32>
    %get3A_32 = arith.constant 0 : index
    %get3A_33 = arith.constant 0 : index
    %get3A_34 = vector.load %arg7[%get3A_32, %get3A_33] : memref<1x128xf32, #tpu.memory_space<vmem>>, vector<1x128xf32>
    %add3A_35 = vector.broadcast %get3A_34 : vector<1x128xf32> to vector<512x128xf32>
    %add3A_36 = arith.addf %dot_general3A_31, %add3A_35 : vector<512x128xf32>
    %max3A_37 = arith.constant 0.000000e+00 : f32
    %max3A_38 = vector.broadcast %max3A_37 : f32 to vector<512x128xf32>
    %max3A_39 = arith.maximumf %add3A_36, %max3A_38 : vector<512x128xf32>
    %get3A_40 = arith.constant 0 : index
    %get3A_41 = arith.constant 0 : index
    %get3A_42 = vector.load %arg8[%get3A_40, %get3A_41] : memref<128x128xf32, #tpu.memory_space<vmem>>, vector<128x128xf32>
    %dot_general3A_43 = arith.constant dense<0.000000e+00> : vector<512x128xf32>
    %dot_general3A_44 = tpu.matmul %max3A_39, %get3A_42, %dot_general3A_43 {dimension_numbers = #tpu.dot_dimension_numbers<[1], [0], [0], [1], [0, 0, 1, 1], [], []>, transpose_lhs_hint = false} : vector<512x128xf32>, vector<128x128xf32>, vector<512x128xf32> -> vector<512x128xf32>
    %get3A_45 = arith.constant 0 : index
    %get3A_46 = arith.constant 0 : index
    %get3A_47 = vector.load %arg9[%get3A_45, %get3A_46] : memref<1x128xf32, #tpu.memory_space<vmem>>, vector<1x128xf32>
    %add3A_48 = vector.broadcast %get3A_47 : vector<1x128xf32> to vector<512x128xf32>
    %add3A_49 = arith.addf %dot_general3A_44, %add3A_48 : vector<512x128xf32>
    %swap3A_50 = arith.constant 0 : index
    %swap3A_51 = arith.constant 0 : index
    %swap3A_52 = vector.load %arg11[%swap3A_50, %swap3A_51] : memref<512x128xf32, #tpu.memory_space<vmem>>, vector<512x128xf32>
    tpu.vector_store %arg11[%swap3A_50, %swap3A_51], %add3A_49 {strides = array<i32>} : memref<512x128xf32, #tpu.memory_space<vmem>>, vector<512x128xf32>,
    return
  }
  func.func @transform_0(%arg0: i32) -> (i32, i32) {
    %c0_i32 = arith.constant 0 : i32
    %c0_i32_0 = arith.constant 0 : i32
    return %arg0, %c0_i32 : i32, i32
  }
  func.func @transform_1(%arg0: i32) -> (i32, i32) {
    %c0_i32 = arith.constant 0 : i32
    %c0_i32_0 = arith.constant 0 : i32
    %c0_i32_1 = arith.constant 0 : i32
    return %c0_i32, %c0_i32_0 : i32, i32
  }
  func.func @transform_2(%arg0: i32) -> (i32, i32) {
    %c0_i32 = arith.constant 0 : i32
    %c0_i32_0 = arith.constant 0 : i32
    %c0_i32_1 = arith.constant 0 : i32
    return %c0_i32, %c0_i32_0 : i32, i32
  }
  func.func @transform_3(%arg0: i32) -> (i32, i32) {
    %c0_i32 = arith.constant 0 : i32
    %c0_i32_0 = arith.constant 0 : i32
    %c0_i32_1 = arith.constant 0 : i32
    return %c0_i32, %c0_i32_0 : i32, i32
  }
  func.func @transform_4(%arg0: i32) -> (i32, i32) {
    %c0_i32 = arith.constant 0 : i32
    %c0_i32_0 = arith.constant 0 : i32
    %c0_i32_1 = arith.constant 0 : i32
    return %c0_i32, %c0_i32_0 : i32, i32
  }
  func.func @transform_5(%arg0: i32) -> (i32, i32) {
    %c0_i32 = arith.constant 0 : i32
    %c0_i32_0 = arith.constant 0 : i32
    %c0_i32_1 = arith.constant 0 : i32
    return %c0_i32, %c0_i32_0 : i32, i32
  }
  func.func @transform_6(%arg0: i32) -> (i32, i32) {
    %c0_i32 = arith.constant 0 : i32
    %c0_i32_0 = arith.constant 0 : i32
    %c0_i32_1 = arith.constant 0 : i32
    return %c0_i32, %c0_i32_0 : i32, i32
  }
  func.func @transform_7(%arg0: i32) -> (i32, i32) {
    %c0_i32 = arith.constant 0 : i32
    %c0_i32_0 = arith.constant 0 : i32
    %c0_i32_1 = arith.constant 0 : i32
    return %c0_i32, %c0_i32_0 : i32, i32
  }
  func.func @transform_8(%arg0: i32) -> (i32, i32) {
    %c0_i32 = arith.constant 0 : i32
    %c0_i32_0 = arith.constant 0 : i32
    %c0_i32_1 = arith.constant 0 : i32
    return %c0_i32, %c0_i32_0 : i32, i32
  }
  func.func @transform_9(%arg0: i32) -> (i32, i32) {
    %add3A = arith.constant 0 : i32
    %add3A_0 = arith.addi %add3A, %arg0 : i32
    %c0_i32 = arith.constant 0 : i32
    %c0_i32_1 = arith.constant 0 : i32
    return %add3A_0, %c0_i32 : i32, i32
  }
  func.func @transform_10(%arg0: i32) -> (i32, i32) {
    %add3A = arith.constant 0 : i32
    %add3A_0 = arith.addi %add3A, %arg0 : i32
    %c0_i32 = arith.constant 0 : i32
    %c0_i32_1 = arith.constant 0 : i32
    return %add3A_0, %c0_i32 : i32, i32
  }
}

</mosaic_0001>

<sc_bundles>
// kernel: kernel.4.cloned.1.call-start
scs
__scs_entry_jumppad:
0x0: {  	(pc) =	sbr.rel $0x88, $3  }
0x1: {  	(tag) =	ssettag $0x0;
	lr =	simm.s32 $0x1  }
0x2: {  	[smem:$0x3F96] =	sst lr;
	_ =	strace $0xD0000000  }
0x3: {  	_ = 	snop  }
0x4: {  	_ = 	snop  }
0x5: {  	_ = 	snop  }
0x6: {  	_ = 	snop  }
0x7: {  	_ = 	snop  }
__scs_overlays_trampoline_lowered:
0x8: {  	[smem:$0x3FA5] =	sst s0  }
0x9: {  	[smem:$0x3FA6] =	sst s1  }
0xa: {  	[smem:$0x3FA7] =	sst s2  }
0xb: {  	[smem:$0x3FA8] =	sst s3  }
0xc: {  	[smem:$0x3FA9] =	sst s4  }
0xd: {  	[smem:$0x3FAA] =	sst s5  }
0xe: {  	[smem:$0x3FAB] =	sst s6  }
0xf: {  	[smem:$0x3FAC] =	sst s7  }
0x10: {  	[smem:$0x3FAD] =	sst s8  }
0x11: {  	[smem:$0x3FAE] =	sst s9;
	s0 =	simm.s32 @!p0 $0x0  }
0x12: {  	s1 =	sld [smem:$0x3F94];
	s0 =	simm.s32 @p0 $0x1  }
0x13: {  	[smem:$0x3FAF] =	sst s0;
	s0 =	simm.s32 @!p1 $0x0  }
0x14: {  	s2 =	sld [smem:$0x3F93];
	s0 =	simm.s32 @p1 $0x1  }
0x15: {  	[smem:$0x3FB0] =	sst s0;
	s0 =	simm.s32 @!p2 $0x0  }
0x16: {  	s3 =	sld [smem:$0x3FDB];
	s0 =	simm.s32 @p2 $0x1  }
0x17: {  	s4 =	simm.s32 $0x1BF5;
	[smem:$0x3FB2] =	sst s0  }
0x18: {  	s0 =	sld [smem:$0x3F95];
	_ =	swait.ge [sflag:s4], $0x0  }
0x19: {  	s7 =	sld [smem:$0x3F96]  }
0x1a: {  	s8 =	sadd.s32 $0xFFFFE003, lr  }
0x1b: {  	s9 =	sadd.s32 $0xFFFFFEF7, lr;
	s5 =	simm.s32 $0xFFFFFFFF;
	p2 =	slt.u32 s8, $0xFFFFF086  }
0x1c: {  	p1 =	slt.u32 s9, $0xF7A;
	s5 =	simm.s32 @!p2 $0x0  }
0x1d: {  	s5 =	simm.s32 @p1 $0x1;
	p0 =	seq.s32 s7, s2  }
0x1e: {  	s7 =	smul.u32 @!p0 $0xF7A, s2;
	p2 =	seq.s32 @!p0 s5, $0x0  }
0x1f: {  	s9 =	smul.u32 $0xF7A, s1;
	s8 =	simm.s32 @!p0 $0x1BF5;
	p2 =	por !p2, p0  }
0x20: {  	[sflag:s8] =	ssyncset.s32 @!p0 $0xFFFFF086;
	s6 =	sadd.s32 @!p0 s3, s7;
	s7 =	simm.s32 @!p0 $0x108  }
0x21: {  	s3 =	sadd.s32 s3, s9;
	s6 =	sadd.s32 @!p0 $0x88, s6;
	s7 =	simm.s32 @p2 $0x1082  }
0x22: {  	[simem:s7], [sflag:s8] =	dma.local @!p0 [hbm:s6], $0xF7A  }
0x23: {  	s9 =	sor.u32 $0xD0000000, s2;
	s6 =	simm.s32 $0x108;
	_ =	swait.ge @!p0 [sflag:s8], $0x0  }
0x24: {  	s3 =	sadd.s32 $0x88, s3;
	s6 =	simm.s32 @!p1 $0x1082;
	[sflag:s4] =	ssyncset.s32 $0xFFFFF086  }
0x25: {  	[simem:s6], [sflag:s4] =	dma.local [hbm:s3], $0xF7A  }
0x26: {  	[smem:$0x3F96] =	sst s1;
	(tag) =	ssettag s2;
	_ =	strace s9  }
0x27: {  	s1 =	sld [smem:$0x3FA6]  }
0x28: {  	s2 =	sld [smem:$0x3FA7]  }
0x29: {  	s4 =	sld [smem:$0x3FA9]  }
0x2a: {  	p0 =	seq.s32 s5, $0x0;
	s5 =	sld [smem:$0x3FAA]  }
0x2b: {  	s6 =	sld [smem:$0x3FAB]  }
0x2c: {  	s7 =	sld [smem:$0x3FAC]  }
0x2d: {  	s3 =	simm.s32 $0x108;
	s8 =	sld [smem:$0x3FAD]  }
0x2e: {  	s3 =	simm.s32 @!p0 $0x1082;
	s9 =	sld [smem:$0x3FAE]  }
0x2f: {  	lr =	sadd.s32 s0, s3;
	s0 =	sld [smem:$0x3FA5]  }
0x30: {  	s3 =	sld [smem:$0x3FA8]  }
0x31: {  	[smem:$0x3FB1] =	sst s10  }
0x32: {  	s10 =	sld [smem:$0x3FAF];
	_ =	sdelay $0x3  }
0x33: {  	p0 =	seq.s32 s10, $0x1;
	s10 =	sld [smem:$0x3FB1];
	_ =	sdelay $0x3  }
0x34: {  	[smem:$0x3FB1] =	sst s10  }
0x35: {  	s10 =	sld [smem:$0x3FB0];
	_ =	sdelay $0x3  }
0x36: {  	p1 =	seq.s32 s10, $0x1;
	s10 =	sld [smem:$0x3FB1];
	_ =	sdelay $0x3  }
0x37: {  	[smem:$0x3FB1] =	sst s10  }
0x38: {  	s10 =	sld [smem:$0x3FB2]  }
0x39: {  	_ = 	snop;
	(pc) =	sbr.ind lr, $3  }
0x3a: {  	_ = 	snop  }
0x3b: {  	_ = 	snop  }
0x3c: {  	p2 =	seq.s32 s10, $0x1;
	s10 =	sld [smem:$0x3FB1]  }
0x3d: {  	_ =	shalt  }
0x3e: {  	_ =	shalt  }
0x3f: {  	_ =	shalt  }
0x40: {  	_ =	shalt  }
0x41: {  	_ =	shalt  }
0x42: {  	_ =	shalt  }
0x43: {  	_ =	shalt  }
0x44: {  	_ =	shalt  }
0x45: {  	_ =	shalt  }
0x46: {  	_ =	shalt  }
0x47: {  	_ =	shalt  }
0x48: {  	_ =	shalt  }
0x49: {  	_ =	shalt  }
0x4a: {  	_ =	shalt  }
0x4b: {  	_ =	shalt  }
0x4c: {  	_ =	shalt  }
0x4d: {  	_ =	shalt  }
0x4e: {  	_ =	shalt  }
0x4f: {  	_ =	shalt  }
0x50: {  	_ =	shalt  }
0x51: {  	_ =	shalt  }
0x52: {  	_ =	shalt  }
0x53: {  	_ =	shalt  }
0x54: {  	_ =	shalt  }
0x55: {  	_ =	shalt  }
0x56: {  	_ =	shalt  }
0x57: {  	_ =	shalt  }
0x58: {  	_ =	shalt  }
0x59: {  	_ =	shalt  }
0x5a: {  	_ =	shalt  }
0x5b: {  	_ =	shalt  }
0x5c: {  	_ =	shalt  }
0x5d: {  	_ =	shalt  }
0x5e: {  	_ =	shalt  }
0x5f: {  	_ =	shalt  }
0x60: {  	_ =	shalt  }
0x61: {  	_ =	shalt  }
0x62: {  	_ =	shalt  }
0x63: {  	_ =	shalt  }
0x64: {  	_ =	shalt  }
0x65: {  	_ =	shalt  }
0x66: {  	_ =	shalt  }
0x67: {  	_ =	shalt  }
0x68: {  	_ =	shalt  }
0x69: {  	_ =	shalt  }
0x6a: {  	_ =	shalt  }
0x6b: {  	_ =	shalt  }
0x6c: {  	_ =	shalt  }
0x6d: {  	_ =	shalt  }
0x6e: {  	_ =	shalt  }
0x6f: {  	_ =	shalt  }
0x70: {  	_ =	shalt  }
0x71: {  	_ =	shalt  }
0x72: {  	_ =	shalt  }
0x73: {  	_ =	shalt  }
0x74: {  	_ =	shalt  }
0x75: {  	_ =	shalt  }
0x76: {  	_ =	shalt  }
0x77: {  	_ =	shalt  }
0x78: {  	_ =	shalt  }
0x79: {  	_ =	shalt  }
0x7a: {  	_ =	shalt  }
0x7b: {  	_ =	shalt  }
0x7c: {  	_ =	shalt  }
0x7d: {  	_ =	shalt  }
0x7e: {  	_ =	shalt  }
0x7f: {  	_ =	shalt  }
0x80: {  	_ =	shalt  }
0x81: {  	_ =	shalt  }
0x82: {  	_ =	shalt  }
0x83: {  	_ =	shalt  }
0x84: {  	_ =	shalt  }
0x85: {  	_ =	shalt  }
0x86: {  	_ =	shalt  }
0x87: {  	_ =	shalt  }
.Lfunc_end0:
.L_simem_size_0:
called_computation_lowered:
.L_overlay_start_0:
0x88: {  	s2 =	sld [smem:$0x3FD9]  }
0x89: {  	s3 =	sld [smem:$0x3FFE];
	_ =	sdelay $0x1  }
0x8a: {  	s1 =	srdreg.scid  }
0x8b: {  	s0 =	sand.u32 $0x1, s1  }
0x8c: {  	s14 =	sshll.u32 s0, $0xA;
	s2 =	sadd.s32 s3, s2  }
0x8d: {  	s2 =	sadd.s32 s2, s14  }
0x8e: {  	[smem:$0x3FBD] =	sst s2  }
0x8f: {  	_ = 	snop  }
0x90: {  	s2 =	sld [smem:$0x3FD0];
	_ =	sdelay $0x2  }
0x91: {  	s15 =	simm.s32 $0xA;
	s4 =	simm.s32 $0x10  }
0x92: {  	[smem:s4], [sflag:s15] =	dma.local [hbm:s2], $0x1  }
0x93: {  	_ =	swait.eq [sflag:s15], $0x1  }
0x94: {  	[sflag:s15] =	ssyncset.done $0x0  }
0x95: {  	[sflag:s15] =	ssyncadd.s32 $0xFFFFFFFF  }
0x96: {  	s16 =	sld [smem:$0x10];
	(tm) =	ssettm $0x1  }
0x97: {  	s17 =	sld [smem:$0x3FFB];
	_ =	sdelay $0x3  }
0x98: {  	_ =	strace s17  }
0x99: {  	s3 =	sld [smem:$0x3FFC];
	_ =	sdelay $0x3  }
0x9a: {  	_ =	strace s3  }
0x9b: {  	s3 =	sld [smem:$0x3FFD];
	_ =	sdelay $0x3  }
0x9c: {  	_ =	strace s3  }
0x9d: {  	_ =	strace $0x8FFFFFFF  }
0x9e: {  	s18 =	sld [smem:$0x3FDB];
	_ =	sdelay $0x1  }
0x9f: {  	s19 =	simm.s32 $_scs_section_size  }
0xa0: {  	s5 =	simm.s32 $_size__tile_overlayer_lowered;
	s6 =	simm.s32 $_tile_overlayer_lowered  }
0xa1: {  	s22 =	simm.s32 $0x1BFF;
	s21 =	sshll.u32 s6, $0x1;
	s3 =	sadd.s32 s19, s18  }
0xa2: {  	s7 =	simm.s32 $0x0;
	s20 =	sshll.u32 s5, $0x1;
	s5 =	sadd.s32 s21, s3  }
0xa3: {  	[timem:s7], [sflag:s22] =	dma.local [hbm:s5], s20  }
0xa4: {  	_ =	swait.ge [sflag:s22], s20  }
0xa5: {  	s4 =	ssub.s32 $0x0, s20;
	[sflag:s22] =	ssyncset.done $0x0  }
0xa6: {  	[sflag:s22] =	ssyncadd.s32 s4;
	_ =	sdelay $0x1  }
0xa7: {  	s23 =	simm.s32 $0x1B8B  }
0xa8: {  	_ =	swait.ge [sflag:s23], $0x1  }
0xa9: {  	[sflag:s23] =	ssyncset.done $0x0  }
0xaa: {  	s25 =	simm.s32 $0x1B8E;
	s24 =	sld [smem:$0x3FFE];
	[sflag:s23] =	ssyncadd.s32 $0xFFFFFFFF  }
0xab: {  	s26 =	simm.s32 $execute0_lowered;
	[smem:$0x3FD2] =	sst s25  }
0xac: {  	s5 =	sshll.u32 s26, $0x1;
	_ =	strace $0x80000046;
	[dreg:$0x1] =	wrdreg $0xFFFFFFFF  }
0xad: {  	s28 =	simm.s32 $_size_execute0_lowered;
	s3 =	sadd.s32 s3, s5;
	[dreg:$0x0] =	wrdreg $0x0  }
0xae: {  	s5 =	sshll.u32 s28, $0x1;
	[dreg:$0x2] =	wrdreg s3  }
0xaf: {  	[dreg:$0x3] =	wrdreg s5  }
0xb0: {  	[dreg:$0x4] =	wrdreg $0xC0  }
0xb1: {  	_ =	task [dreg:s7], $0x5FFFF  }
0xb2: {  	[dreg:$0x1] =	wrdreg $0xFFFFFFFF  }
0xb3: {  	[dreg:$0x0] =	wrdreg $0x60  }
0xb4: {  	[dreg:$0x2] =	wrdreg s24  }
0xb5: {  	[dreg:$0x3] =	wrdreg s16  }
0xb6: {  	[dreg:$0x4] =	wrdreg $0x9  }
0xb7: {  	_ =	task.clear_ibuf [dreg:s7], $0x5FFFF;
	_ =	strace $0x90000046  }
0xb8: {  	s29 =	simm.s32 $0x9;
	_ =	strace $0x80000048  }
0xb9: {  	_ =	swait.ge [sflag:s29], $0x1  }
0xba: {  	[sflag:s29] =	ssyncadd.s32 $0xFFFFFFFF  }
0xbb: {  	_ =	strace $0x90000048  }
0xbc: {  	_ =	sfence  }
0xbd: {  	s30 =	sld [smem:$0x0];
	_ =	sdelay $0x2  }
0xbe: {  	s31 =	sshll.u32 s1, $0xD;
	s1 =	sshrl.u32 s1, $0x2  }
0xbf: {  	s3 =	sand.u32 $0x4000, s31;
	s1 =	sadd.s32 s1, s30  }
0xc0: {  	s0 =	sor.u32 s3, s0;
	s1 =	sshll.u32 s1, $0x11  }
0xc1: {  	s0 =	sor.u32 s1, s0  }
0xc2: {  	s0 =	sadd.s32 $0x8F2B, s0  }
0xc3: {  	[sflag:s0] =	ssyncadd.remote.s32 $0x1  }
0xc4: {  	_ =	sfence.sel $0xFFFF  }
0xc5: {  	[dreg:$0x0] =	wrdreg $0xFFFFFFFF;
	(pc) =	sbr.abs _section_cstart, $3  }
0xc6: {  	[dreg:$0x1] =	wrdreg $0xFFFFFFFF  }
0xc7: {  	_ =	task.clear_ibuf [dreg:s7], $0x2FFFF;
	_ =	strace $0x9FFFFFFF  }
0xc8: {  	(tm) =	ssettm $0x7FFFFFFF  }
0xc9: {  	_ =	shalt  }
tec
execute0_lowered:
.L_overlay_start_1:
0x0: {  	(tag) =	ssettag $0x1  }
0x1: {  	s1 =	srdreg.scid;
	s4 =	rddreg [dreg:$0x0]  }
0x2: {  	s0 =	stileid.u32;
	s6 =	rddreg [dreg:$0x1]  }
0x3: {  	s10 =	simm.s32 $0x68;
	s11 =	simm.s32 $0xC800;
	s12 =	simm.s32 $0x60  }
0x4: {  	s13 =	simm.s32 $0xE200;
	s14 =	simm.s32 $0x1;
	s15 =	simm.s32 $0x2  }
0x5: {  	s16 =	simm.s32 $0x6468;
	s17 =	simm.s32 $0xFA00;
	s3 =	sand.u32 $0x1, s1  }
0x6: {  	s18 =	simm.s32 $0x0;
	s30 =	sshll.u32 s0, $0x8;
	s2 =	sshll.u32 s3, $0x7  }
0x7: {  	s1 =	rddreg [dreg:$0x2];
	s8 =	ssub.s32 $0x2, s3;
	s5 =	sor.u32 s2, s30  }
0x8: {  	s2 =	simm.s32 $0x0;
	s9 =	sshrl.u32 s8, $0x1;
	s7 =	smul.u32 $0x19, s5  }
0x9: {  	s3 =	sadd.s32 $0x32C00, s4;
	[smem:$0x7FF] =	sst s2;
	s8 =	ssub.s32 s8, s9  }
0xa: {  	s31 =	sshll.u32 s5, $0x5;
	s9 =	simm.s32 $0x6400;
	s7 =	sadd.s32 s7, s4  }
0xb: {  	_ =	strace $0x80000047;
	s6 =	sadd.s32 s6, s31;
	s4 =	sadd.s32 $0xC00, s7  }
0xc: {  	s5 =	sadd.s32 $0x19C00, s7;
	s7 =	smax.u32 s8, $0x1;
	s8 =	simm.s32 $0x3  }
.LBB2_1:
0xd: {  	[tilespmem:s2], [sflag:$0x3] =	stream.linear.gather [hbm4b:s4+s2], $0x6400, $0x38;
	[tilespmem:$0x17A00] =	vst v63  }
0xe: {  	_ =	swait.ge [sflag:s8], $0x6400  }
0xf: {  	[sflag:s8] =	ssyncset.done $0x0  }
0x10: {  	[sflag:s8] =	ssyncadd.s32 $0xFFFF9C00  }
0x11: {  	[tilespmem:s9], [sflag:$0x3] =	stream.linear.gather [hbm4b:s5+s2], $0x6400, $0x38;
	[tilespmem:$0x17A00] =	vst v63  }
0x12: {  	_ =	swait.ge [sflag:s8], $0x6400  }
0x13: {  	[sflag:s8] =	ssyncset.done $0x0  }
0x14: {  	[sflag:s8] =	ssyncadd.s32 $0xFFFF9C00  }
0x15: {  	[tilespmem:s11], [sflag:$0x1] =	stream.indirect.gather [hbm4b:s3+s10], $0x40, s2, s10, $0xb8;
	[tilespmem:$0x17A00] =	vst v63  }
0x16: {  	s19 =	simm.s32 $0x0  }
0x17: {  	[tilespmem:s13], [sflag:$0x2] =	stream.indirect.gather [hbm4b:s3+s12], $0x40, s10, s12, $0xb8;
	[tilespmem:$0x17A00] =	vst v63  }
.LBB2_2:
0x18: {  	_ =	swait.ge [sflag:s14], $0x1A00  }
0x19: {  	[sflag:s14] =	ssyncset.done $0x0  }
0x1a: {  	s20 =	simm.s32 $0xC900;
	[sflag:s14] =	ssyncadd.s32 $0xFFFFE600  }
0x1b: {  	v8 =	vld [tilespmem:s20+$0xC0]  }
0x1c: {  	v9 =	vld [tilespmem:s20+$0xD0]  }
0x1d: {  	v3 =	vld [tilespmem:s20+$0xE0]  }
0x1e: {  	v4 =	vld [tilespmem:s20+$0xF0]  }
0x1f: {  	v14 =	vld [tilespmem:s20+$0x80]  }
0x20: {  	v15 =	vld [tilespmem:s20+$0x90]  }
0x21: {  	v6 =	vld [tilespmem:s20+$0xA0]  }
0x22: {  	v7 =	vld [tilespmem:s20+$0xB0]  }
0x23: {  	v16 =	vld [tilespmem:s20+$0x40]  }
0x24: {  	v17 =	vld [tilespmem:s20+$0x50]  }
0x25: {  	v11 =	vld [tilespmem:s20+$0x60]  }
0x26: {  	v12 =	vld [tilespmem:s20+$0x70]  }
0x27: {  	v18 =	vld [tilespmem:s20+$0x0]  }
0x28: {  	v19 =	vld [tilespmem:s20+$0x10]  }
0x29: {  	v10 =	vld [tilespmem:s20+$0x20]  }
0x2a: {  	v13 =	vld [tilespmem:s20+$0x30]  }
0x2b: {  	v33 =	vld [tilespmem:s20+$0xFFFFFFC0]  }
0x2c: {  	v34 =	vld [tilespmem:s20+$0xFFFFFFD0]  }
0x2d: {  	v1 =	vimm.f32 $0.0e+00;
	v35 =	vld [tilespmem:s20+$0xFFFFFF80]  }
0x2e: {  	v36 =	vld [tilespmem:s20+$0xFFFFFF90];
	v5 =	vshll.u32 v8, $0x10;
	v20 =	vshll.u32 v9, $0x10;
	v0 =	vshll.u32 v3, $0x10  }
0x2f: {  	v37 =	vld [tilespmem:s20+$0xFFFFFF40];
	v2 =	vshll.u32 v4, $0x10;
	v8 =	vand.u32 $0xFFFF0000, v8;
	v9 =	vand.u32 $0xFFFF0000, v9  }
0x30: {  	v45 =	vld [tilespmem:s20+$0xFFFFFF50];
	v46 =	vshll.u32 v14, $0x10;
	v47 =	vshll.u32 v15, $0x10;
	v21 =	vshll.u32 v6, $0x10  }
0x31: {  	v24 =	vld [tilespmem:s20+$0xFFFFFF00];
	v23 =	vshll.u32 v7, $0x10;
	v14 =	vand.u32 $0xFFFF0000, v14;
	v15 =	vand.u32 $0xFFFF0000, v15  }
0x32: {  	v25 =	vld [tilespmem:s20+$0xFFFFFF10];
	v39 =	vshll.u32 v16, $0x10;
	v40 =	vshll.u32 v17, $0x10;
	v48 =	vshll.u32 v11, $0x10  }
0x33: {  	v26 =	vld [tilespmem:s20+$0xFFFFFF20];
	v49 =	vshll.u32 v12, $0x10;
	v16 =	vand.u32 $0xFFFF0000, v16;
	v17 =	vand.u32 $0xFFFF0000, v17  }
0x34: {  	v27 =	vld [tilespmem:s20+$0xFFFFFF30];
	v42 =	vshll.u32 v18, $0x10;
	v43 =	vshll.u32 v19, $0x10;
	v44 =	vshll.u32 v10, $0x10  }
0x35: {  	v22 =	vld [tilespmem:s20+$0xFFFFFF60];
	v50 =	vshll.u32 v13, $0x10;
	v18 =	vand.u32 $0xFFFF0000, v18;
	v19 =	vand.u32 $0xFFFF0000, v19  }
0x36: {  	v28 =	vld [tilespmem:s20+$0xFFFFFF70];
	v38 =	vshll.u32 v35, $0x10;
	v41 =	vshll.u32 v33, $0x10;
	v51 =	vshll.u32 v34, $0x10  }
0x37: {  	v29 =	vld [tilespmem:s20+$0xFFFFFFA0];
	v52 =	vshll.u32 v37, $0x10;
	v53 =	vshll.u32 v45, $0x10;
	v54 =	vshll.u32 v36, $0x10  }
0x38: {  	v31 =	vld [tilespmem:s20+$0xFFFFFFB0];
	v30 =	vshll.u32 v24, $0x10;
	v32 =	vshll.u32 v25, $0x10;
	v55 =	vshll.u32 v26, $0x10  }
0x39: {  	v56 =	vshll.u32 v27, $0x10;
	v57 =	vadd.f32 v30, v1;
	v58 =	vadd.f32 v32, v1;
	v30 =	vld [tilespmem:s20+$0xFFFFFFE0]  }
0x3a: {  	v59 =	vshll.u32 v22, $0x10;
	v55 =	vadd.f32 v55, v1;
	v56 =	vadd.f32 v56, v1;
	v32 =	vld [tilespmem:s20+$0xFFFFFFF0]  }
0x3b: {  	v60 =	vshll.u32 v28, $0x10;
	v52 =	vadd.f32 v52, v57;
	v53 =	vadd.f32 v53, v58  }
0x3c: {  	v62 =	vshll.u32 v29, $0x10;
	v55 =	vadd.f32 v59, v55;
	v56 =	vadd.f32 v60, v56  }
0x3d: {  	v63 =	vshll.u32 v31, $0x10;
	v38 =	vadd.f32 v38, v52;
	v52 =	vadd.f32 v54, v53  }
0x3e: {  	v45 =	vand.u32 $0xFFFF0000, v45;
	v53 =	vadd.f32 v62, v55;
	v60 =	vadd.f32 v63, v56  }
0x3f: {  	v61 =	vshll.u32 v30, $0x10;
	v62 =	vshll.u32 v32, $0x10;
	v63 =	vadd.f32 v41, v38  }
0x40: {  	v51 =	vadd.f32 v51, v52;
	v38 =	vand.u32 $0xFFFF0000, v33;
	v59 =	vadd.f32 v61, v53  }
0x41: {  	v60 =	vadd.f32 v62, v60;
	v41 =	vand.u32 $0xFFFF0000, v34;
	v61 =	vadd.f32 v42, v63  }
0x42: {  	v51 =	vadd.f32 v43, v51;
	v42 =	vand.u32 $0xFFFF0000, v35;
	v33 =	vadd.f32 v44, v59  }
0x43: {  	v62 =	vadd.f32 v50, v60;
	v43 =	vand.u32 $0xFFFF0000, v36;
	v44 =	vand.u32 $0xFFFF0000, v37  }
0x44: {  	v35 =	vimm.f32 $0.0e+00;
	v34 =	vadd.f32 v39, v61;
	v63 =	vadd.f32 v40, v51  }
0x45: {  	v39 =	vadd.f32 v48, v33;
	v40 =	vadd.f32 v49, v62;
	v33 =	vimm.f32 $0.0e+00  }
0x46: {  	s21 =	simm.s32 $0xCB00;
	s20 =	simm.s32 $0x0;
	v36 =	vadd.f32 v46, v34;
	v37 =	vadd.f32 v47, v63;
	v34 =	vimm.f32 $0.0e+00  }
.LBB2_3:
0x47: {  	v46 =	vld [tilespmem:s21+$0xC0];
	v24 =	vand.u32 $0xFFFF0000, v24;
	v21 =	vadd.f32 v21, v39;
	v23 =	vadd.f32 v23, v40  }
0x48: {  	v25 =	vand.u32 $0xFFFF0000, v25;
	v47 =	vld [tilespmem:s21+$0xD0];
	v36 =	vadd.f32 v5, v36;
	v37 =	vadd.f32 v20, v37  }
0x49: {  	v20 =	vand.u32 $0xFFFF0000, v26;
	v5 =	vld [tilespmem:s21+$0xE0];
	v39 =	vadd.f32 v0, v21;
	v40 =	vadd.f32 v2, v23  }
0x4a: {  	v1 =	vadd.f32 v24, v1;
	v2 =	vand.u32 $0xFFFF0000, v27;
	v21 =	vadd.f32 v25, v33;
	v0 =	vld [tilespmem:s21+$0xF0]  }
0x4b: {  	v22 =	vand.u32 $0xFFFF0000, v22;
	v20 =	vadd.f32 v20, v34;
	v2 =	vadd.f32 v2, v35;
	v25 =	vld [tilespmem:s21+$0x80]  }
0x4c: {  	v23 =	vand.u32 $0xFFFF0000, v28;
	v1 =	vadd.f32 v44, v1;
	v21 =	vadd.f32 v45, v21;
	v26 =	vld [tilespmem:s21+$0x90]  }
0x4d: {  	v20 =	vadd.f32 v22, v20;
	v22 =	vand.u32 $0xFFFF0000, v29;
	v2 =	vadd.f32 v23, v2;
	v24 =	vld [tilespmem:s21+$0xA0]  }
0x4e: {  	v27 =	vand.u32 $0xFFFF0000, v31;
	v1 =	vadd.f32 v42, v1;
	v21 =	vadd.f32 v43, v21;
	v23 =	vld [tilespmem:s21+$0xB0]  }
0x4f: {  	v20 =	vadd.f32 v22, v20;
	v22 =	vand.u32 $0xFFFF0000, v30;
	v2 =	vadd.f32 v27, v2;
	v28 =	vld [tilespmem:s21+$0x40]  }
0x50: {  	v29 =	vand.u32 $0xFFFF0000, v32;
	v1 =	vadd.f32 v38, v1;
	v21 =	vadd.f32 v41, v21;
	v27 =	vld [tilespmem:s21+$0x50]  }
0x51: {  	v10 =	vand.u32 $0xFFFF0000, v10;
	v20 =	vadd.f32 v22, v20;
	v2 =	vadd.f32 v29, v2;
	v30 =	vld [tilespmem:s21+$0x60]  }
0x52: {  	v13 =	vand.u32 $0xFFFF0000, v13;
	v1 =	vadd.f32 v18, v1;
	v18 =	vadd.f32 v19, v21;
	v22 =	vld [tilespmem:s21+$0x70]  }
0x53: {  	v11 =	vand.u32 $0xFFFF0000, v11;
	v20 =	vadd.f32 v10, v20;
	v2 =	vadd.f32 v13, v2;
	v19 =	vld [tilespmem:s21+$0x0]  }
0x54: {  	v12 =	vand.u32 $0xFFFF0000, v12;
	v1 =	vadd.f32 v16, v1;
	v16 =	vadd.f32 v17, v18;
	v29 =	vld [tilespmem:s21+$0x10]  }
0x55: {  	v17 =	vadd.f32 v11, v20;
	v20 =	vand.u32 $0xFFFF0000, v6;
	v6 =	vmovc v24;
	v2 =	vadd.f32 v12, v2;
	v10 =	vld [tilespmem:s21+$0x20]  }
0x56: {  	v18 =	vand.u32 $0xFFFF0000, v7;
	v7 =	vmovc v23;
	v1 =	vadd.f32 v14, v1;
	v14 =	vadd.f32 v15, v16;
	v13 =	vld [tilespmem:s21+$0x30];
	v11 =	vmovc v30  }
0x57: {  	v15 =	vadd.f32 v20, v17;
	v16 =	vand.u32 $0xFFFF0000, v3;
	v3 =	vmovc v5;
	v2 =	vadd.f32 v18, v2;
	v38 =	vld [tilespmem:s21+$0xFFFFFFC0];
	v12 =	vmovc v22  }
0x58: {  	v5 =	vand.u32 $0xFFFF0000, v4;
	v4 =	vmovc v0;
	v1 =	vadd.f32 v8, v1;
	v33 =	vadd.f32 v9, v14;
	v41 =	vld [tilespmem:s21+$0xFFFFFFD0]  }
0x59: {  	v34 =	vadd.f32 v16, v15;
	v35 =	vadd.f32 v5, v2;
	v42 =	vld [tilespmem:s21+$0xFFFFFF80]  }
0x5a: {  	v20 =	vshll.u32 v47, $0x10;
	v0 =	vshll.u32 v3, $0x10;
	v5 =	vshll.u32 v46, $0x10;
	v43 =	vld [tilespmem:s21+$0xFFFFFF90]  }
0x5b: {  	v8 =	vand.u32 $0xFFFF0000, v46;
	v9 =	vand.u32 $0xFFFF0000, v47;
	v2 =	vshll.u32 v4, $0x10;
	v44 =	vld [tilespmem:s21+$0xFFFFFF40]  }
0x5c: {  	v21 =	vshll.u32 v6, $0x10;
	v47 =	vshll.u32 v26, $0x10;
	v46 =	vshll.u32 v25, $0x10;
	v45 =	vld [tilespmem:s21+$0xFFFFFF50]  }
0x5d: {  	v23 =	vshll.u32 v7, $0x10;
	v14 =	vand.u32 $0xFFFF0000, v25;
	v15 =	vand.u32 $0xFFFF0000, v26;
	v24 =	vld [tilespmem:s21+$0xFFFFFF00]  }
0x5e: {  	v48 =	vshll.u32 v28, $0x10;
	v49 =	vshll.u32 v27, $0x10;
	v50 =	vshll.u32 v11, $0x10;
	v25 =	vld [tilespmem:s21+$0xFFFFFF10]  }
0x5f: {  	v17 =	vand.u32 $0xFFFF0000, v27;
	v16 =	vand.u32 $0xFFFF0000, v28;
	v51 =	vshll.u32 v12, $0x10;
	v26 =	vld [tilespmem:s21+$0xFFFFFF20]  }
0x60: {  	v52 =	vshll.u32 v19, $0x10;
	v53 =	vshll.u32 v29, $0x10;
	v54 =	vshll.u32 v10, $0x10;
	v27 =	vld [tilespmem:s21+$0xFFFFFF30]  }
0x61: {  	v18 =	vand.u32 $0xFFFF0000, v19;
	v19 =	vand.u32 $0xFFFF0000, v29;
	v55 =	vshll.u32 v13, $0x10;
	v22 =	vld [tilespmem:s21+$0xFFFFFF60]  }
0x62: {  	v57 =	vshll.u32 v38, $0x10;
	v58 =	vshll.u32 v41, $0x10;
	v56 =	vshll.u32 v42, $0x10;
	v28 =	vld [tilespmem:s21+$0xFFFFFF70]  }
0x63: {  	v61 =	vshll.u32 v43, $0x10;
	v59 =	vshll.u32 v44, $0x10;
	v60 =	vshll.u32 v45, $0x10;
	v29 =	vld [tilespmem:s21+$0xFFFFFFA0]  }
0x64: {  	v30 =	vshll.u32 v24, $0x10;
	v32 =	vshll.u32 v25, $0x10;
	v62 =	vshll.u32 v26, $0x10;
	v31 =	vld [tilespmem:s21+$0xFFFFFFB0]  }
0x65: {  	v36 =	vadd.f32 v30, v36;
	v37 =	vadd.f32 v32, v37;
	v63 =	vshll.u32 v27, $0x10;
	v30 =	vld [tilespmem:s21+$0xFFFFFFE0]  }
0x66: {  	v39 =	vadd.f32 v62, v39;
	v40 =	vadd.f32 v63, v40;
	v62 =	vshll.u32 v22, $0x10;
	v32 =	vld [tilespmem:s21+$0xFFFFFFF0]  }
0x67: {  	v36 =	vadd.f32 v59, v36;
	v37 =	vadd.f32 v60, v37;
	v63 =	vshll.u32 v28, $0x10  }
0x68: {  	v39 =	vadd.f32 v62, v39;
	v40 =	vadd.f32 v63, v40;
	v59 =	vshll.u32 v29, $0x10  }
0x69: {  	v36 =	vadd.f32 v56, v36;
	v37 =	vadd.f32 v61, v37;
	v60 =	vshll.u32 v31, $0x10  }
0x6a: {  	v39 =	vadd.f32 v59, v39;
	v40 =	vadd.f32 v60, v40;
	v56 =	vshll.u32 v30, $0x10  }
0x6b: {  	s20 =	sadd.s32 $0x8, s20;
	v36 =	vadd.f32 v57, v36;
	v37 =	vadd.f32 v58, v37;
	v59 =	vshll.u32 v32, $0x10  }
0x6c: {  	p0 =	slt.u32 s20, $0x60;
	v38 =	vand.u32 $0xFFFF0000, v38;
	v39 =	vadd.f32 v56, v39;
	v40 =	vadd.f32 v59, v40  }
.Ltmp0:
0x6d: {  	v41 =	vand.u32 $0xFFFF0000, v41;
	v36 =	vadd.f32 v52, v36;
	v37 =	vadd.f32 v53, v37;
	(pc) =	sbr.rel @p0 .LBB2_3-.Ltmp0, $4  }
0x6e: {  	v42 =	vand.u32 $0xFFFF0000, v42;
	v39 =	vadd.f32 v54, v39;
	v40 =	vadd.f32 v55, v40  }
0x6f: {  	v43 =	vand.u32 $0xFFFF0000, v43;
	v36 =	vadd.f32 v48, v36;
	v37 =	vadd.f32 v49, v37  }
0x70: {  	v44 =	vand.u32 $0xFFFF0000, v44;
	v39 =	vadd.f32 v50, v39;
	v40 =	vadd.f32 v51, v40  }
0x71: {  	v45 =	vand.u32 $0xFFFF0000, v45;
	s21 =	sadd.s32 $0x200, s21;
	v36 =	vadd.f32 v46, v36;
	v37 =	vadd.f32 v47, v37  }
0x72: {  	p0 =	seq.s32 s19, $0x7F  }
0x73: {  	s20 =	smul.u32 @!p0 $0x320, s19;
	_ =	sdelay $0x1  }
0x74: {  	s20 =	sshra.s32 @!p0 s20, $0x2  }
0x75: {  	s22 =	simm.s32 @!p0 $0x68;
	s23 =	simm.s32 @!p0 $0xC800;
	s21 =	sadd.s32 @!p0 $0xC8, s20  }
0x76: {  	[tilespmem:s23], [sflag:$0x1] =	stream.indirect.gather @!p0 [hbm4b:s3+s22], $0x40, s21, s22, $0xb8;
	[tilespmem:$0x17A00] =	vst v63  }
0x77: {  	_ =	swait.ge [sflag:s15], $0x1800  }
0x78: {  	v24 =	vand.u32 $0xFFFF0000, v24;
	v21 =	vadd.f32 v21, v39;
	[sflag:s15] =	ssyncset.done $0x0  }
0x79: {  	s31 =	simm.s32 $0xE300;
	v23 =	vadd.f32 v23, v40;
	v25 =	vand.u32 $0xFFFF0000, v25;
	v22 =	vand.u32 $0xFFFF0000, v22;
	[sflag:s15] =	ssyncadd.s32 $0xFFFFE800  }
0x7a: {  	v11 =	vand.u32 $0xFFFF0000, v11;
	v36 =	vadd.f32 v5, v36;
	v37 =	vadd.f32 v20, v37;
	v58 =	vld [tilespmem:s31+$0xC0]  }
0x7b: {  	v5 =	vand.u32 $0xFFFF0000, v26;
	v20 =	vadd.f32 v24, v1;
	v46 =	vadd.f32 v0, v21;
	v59 =	vld [tilespmem:s31+$0xD0]  }
0x7c: {  	v47 =	vadd.f32 v2, v23;
	v2 =	vand.u32 $0xFFFF0000, v27;
	v21 =	vadd.f32 v25, v33;
	v1 =	vld [tilespmem:s31+$0xF0]  }
0x7d: {  	v12 =	vand.u32 $0xFFFF0000, v12;
	v5 =	vadd.f32 v5, v34;
	v2 =	vadd.f32 v2, v35;
	v27 =	vld [tilespmem:s31+$0x80]  }
0x7e: {  	v23 =	vand.u32 $0xFFFF0000, v28;
	v20 =	vadd.f32 v44, v20;
	v21 =	vadd.f32 v45, v21;
	v28 =	vld [tilespmem:s31+$0x90]  }
0x7f: {  	v24 =	vand.u32 $0xFFFF0000, v29;
	v22 =	vadd.f32 v22, v5;
	v23 =	vadd.f32 v23, v2;
	v2 =	vld [tilespmem:s31+$0xA0]  }
0x80: {  	v25 =	vand.u32 $0xFFFF0000, v31;
	v20 =	vadd.f32 v42, v20;
	v21 =	vadd.f32 v43, v21;
	v5 =	vld [tilespmem:s31+$0xB0]  }
0x81: {  	v22 =	vadd.f32 v24, v22;
	v24 =	vand.u32 $0xFFFF0000, v30;
	v23 =	vadd.f32 v25, v23;
	v30 =	vld [tilespmem:s31+$0x40]  }
0x82: {  	v25 =	vand.u32 $0xFFFF0000, v32;
	v20 =	vadd.f32 v38, v20;
	v21 =	vadd.f32 v41, v21;
	v31 =	vld [tilespmem:s31+$0x50]  }
0x83: {  	v22 =	vadd.f32 v24, v22;
	v24 =	vand.u32 $0xFFFF0000, v10;
	v23 =	vadd.f32 v25, v23;
	v10 =	vld [tilespmem:s31+$0x60]  }
0x84: {  	v25 =	vand.u32 $0xFFFF0000, v13;
	v18 =	vadd.f32 v18, v20;
	v13 =	vld [tilespmem:s31+$0x70];
	v19 =	vadd.f32 v19, v21  }
0x85: {  	v3 =	vand.u32 $0xFFFF0000, v3;
	v60 =	vld [tilespmem:s31+$0x0];
	v20 =	vadd.f32 v24, v22;
	v21 =	vadd.f32 v25, v23  }
0x86: {  	v4 =	vand.u32 $0xFFFF0000, v4;
	v38 =	vld [tilespmem:s31+$0xFFFFFFC0];
	v16 =	vadd.f32 v16, v18;
	v17 =	vadd.f32 v17, v19  }
0x87: {  	v42 =	vld [tilespmem:s31+$0xFFFFFF80];
	v11 =	vadd.f32 v11, v20;
	v19 =	vand.u32 $0xFFFF0000, v6;
	v12 =	vadd.f32 v12, v21  }
0x88: {  	v43 =	vld [tilespmem:s31+$0xFFFFFF90];
	v20 =	vand.u32 $0xFFFF0000, v7;
	v14 =	vadd.f32 v14, v16;
	v15 =	vadd.f32 v15, v17  }
0x89: {  	v39 =	vld [tilespmem:s31+$0xFFFFFF50];
	v11 =	vadd.f32 v19, v11;
	v22 =	vshll.u32 v58, $0x10;
	v23 =	vshll.u32 v59, $0x10  }
0x8a: {  	v29 =	vld [tilespmem:s31+$0xFFFFFF20];
	v21 =	vshll.u32 v1, $0x10;
	v48 =	vshll.u32 v27, $0x10;
	v49 =	vshll.u32 v28, $0x10  }
0x8b: {  	v0 =	vld [tilespmem:s31+$0xE0];
	v24 =	vshll.u32 v2, $0x10;
	v26 =	vshll.u32 v5, $0x10;
	v45 =	vshll.u32 v30, $0x10  }
0x8c: {  	v41 =	vld [tilespmem:s31+$0xFFFFFFD0];
	v50 =	vshll.u32 v31, $0x10;
	v51 =	vshll.u32 v10, $0x10;
	v52 =	vshll.u32 v13, $0x10  }
0x8d: {  	v44 =	vld [tilespmem:s31+$0xFFFFFF40];
	v53 =	vshll.u32 v60, $0x10;
	v19 =	vand.u32 $0xFFFF0000, v60;
	v40 =	vshll.u32 v42, $0x10  }
0x8e: {  	v18 =	vld [tilespmem:s31+$0x10];
	v57 =	vshll.u32 v38, $0x10;
	v60 =	vshll.u32 v39, $0x10;
	v61 =	vshll.u32 v43, $0x10  }
0x8f: {  	v25 =	vld [tilespmem:s31+$0xFFFFFF00];
	v62 =	vshll.u32 v29, $0x10;
	v42 =	vand.u32 $0xFFFF0000, v42;
	v12 =	vadd.f32 v20, v12  }
0x90: {  	v17 =	vadd.f32 v8, v14;
	v14 =	vadd.f32 v9, v15;
	v9 =	vand.u32 $0xFFFF0000, v27;
	v27 =	vld [tilespmem:s31+$0xFFFFFF10]  }
0x91: {  	v43 =	vand.u32 $0xFFFF0000, v43;
	v15 =	vadd.f32 v4, v12;
	v12 =	vand.u32 $0xFFFF0000, v30;
	v30 =	vld [tilespmem:s31+$0xFFFFFF30]  }
0x92: {  	v20 =	vshll.u32 v0, $0x10;
	v8 =	vand.u32 $0xFFFF0000, v28;
	v28 =	vld [tilespmem:s31+$0xFFFFFF60];
	v46 =	vadd.f32 v62, v46  }
0x93: {  	v16 =	vadd.f32 v3, v11;
	v3 =	vand.u32 $0xFFFF0000, v59;
	v11 =	vand.u32 $0xFFFF0000, v31;
	v31 =	vld [tilespmem:s31+$0xFFFFFF70]  }
0x94: {  	v32 =	vld [tilespmem:s31+$0xFFFFFFA0];
	v54 =	vshll.u32 v18, $0x10;
	v18 =	vand.u32 $0xFFFF0000, v18;
	v33 =	vshll.u32 v25, $0x10  }
0x95: {  	v34 =	vld [tilespmem:s31+$0xFFFFFFB0];
	v59 =	vshll.u32 v44, $0x10;
	v36 =	vadd.f32 v33, v36;
	v35 =	vshll.u32 v27, $0x10  }
0x96: {  	v4 =	vand.u32 $0xFFFF0000, v58;
	v33 =	vld [tilespmem:s31+$0xFFFFFFE0];
	v63 =	vshll.u32 v30, $0x10;
	v37 =	vadd.f32 v35, v37  }
0x97: {  	v58 =	vshll.u32 v41, $0x10;
	v36 =	vadd.f32 v59, v36;
	v35 =	vld [tilespmem:s31+$0xFFFFFFF0];
	v47 =	vadd.f32 v63, v47  }
0x98: {  	v6 =	vld [tilespmem:s31+$0x20];
	v62 =	vshll.u32 v28, $0x10;
	v63 =	vshll.u32 v31, $0x10;
	v37 =	vadd.f32 v60, v37  }
0x99: {  	v7 =	vld [tilespmem:s31+$0x30];
	v59 =	vshll.u32 v32, $0x10;
	v46 =	vadd.f32 v62, v46;
	v47 =	vadd.f32 v63, v47  }
0x9a: {  	v36 =	vadd.f32 v40, v36;
	v60 =	vshll.u32 v34, $0x10;
	v37 =	vadd.f32 v61, v37  }
0x9b: {  	v46 =	vadd.f32 v59, v46;
	v59 =	vshll.u32 v33, $0x10;
	v47 =	vadd.f32 v60, v47  }
0x9c: {  	v36 =	vadd.f32 v57, v36;
	v60 =	vshll.u32 v35, $0x10;
	v37 =	vadd.f32 v58, v37  }
0x9d: {  	v55 =	vshll.u32 v6, $0x10;
	v61 =	vadd.f32 v59, v46;
	v62 =	vadd.f32 v60, v47  }
0x9e: {  	v56 =	vshll.u32 v7, $0x10;
	v36 =	vadd.f32 v53, v36;
	v37 =	vadd.f32 v54, v37  }
0x9f: {  	v40 =	vand.u32 $0xFFFF0000, v38;
	v38 =	vadd.f32 v55, v61;
	v46 =	vadd.f32 v56, v62  }
0xa0: {  	v44 =	vand.u32 $0xFFFF0000, v44;
	v63 =	vadd.f32 v45, v36;
	v50 =	vadd.f32 v50, v37  }
0xa1: {  	v41 =	vand.u32 $0xFFFF0000, v41;
	v36 =	vadd.f32 v51, v38;
	v37 =	vadd.f32 v52, v46  }
0xa2: {  	s21 =	simm.s32 $0x0;
	s22 =	simm.s32 $0xE500;
	v45 =	vand.u32 $0xFFFF0000, v39;
	v38 =	vadd.f32 v48, v63;
	v39 =	vadd.f32 v49, v50  }
.LBB2_5:
0xa3: {  	v46 =	vld [tilespmem:s22+$0xC0];
	v25 =	vand.u32 $0xFFFF0000, v25;
	v24 =	vadd.f32 v24, v36;
	v26 =	vadd.f32 v26, v37  }
0xa4: {  	v27 =	vand.u32 $0xFFFF0000, v27;
	v47 =	vld [tilespmem:s22+$0xD0];
	v36 =	vadd.f32 v22, v38;
	v37 =	vadd.f32 v23, v39  }
0xa5: {  	v23 =	vand.u32 $0xFFFF0000, v29;
	v22 =	vld [tilespmem:s22+$0xE0];
	v38 =	vadd.f32 v20, v24;
	v39 =	vadd.f32 v21, v26  }
0xa6: {  	v17 =	vadd.f32 v25, v17;
	v14 =	vadd.f32 v27, v14;
	v21 =	vand.u32 $0xFFFF0000, v30;
	v20 =	vld [tilespmem:s22+$0xF0]  }
0xa7: {  	v16 =	vadd.f32 v23, v16;
	v15 =	vadd.f32 v21, v15;
	v21 =	vand.u32 $0xFFFF0000, v28;
	v27 =	vld [tilespmem:s22+$0x80]  }
0xa8: {  	v23 =	vand.u32 $0xFFFF0000, v31;
	v17 =	vadd.f32 v44, v17;
	v14 =	vadd.f32 v45, v14;
	v28 =	vld [tilespmem:s22+$0x90]  }
0xa9: {  	v16 =	vadd.f32 v21, v16;
	v21 =	vand.u32 $0xFFFF0000, v32;
	v15 =	vadd.f32 v23, v15;
	v24 =	vld [tilespmem:s22+$0xA0]  }
0xaa: {  	v25 =	vand.u32 $0xFFFF0000, v34;
	v17 =	vadd.f32 v42, v17;
	v14 =	vadd.f32 v43, v14;
	v23 =	vld [tilespmem:s22+$0xB0]  }
0xab: {  	v16 =	vadd.f32 v21, v16;
	v21 =	vand.u32 $0xFFFF0000, v33;
	v15 =	vadd.f32 v25, v15;
	v30 =	vld [tilespmem:s22+$0x40]  }
0xac: {  	v25 =	vand.u32 $0xFFFF0000, v35;
	v17 =	vadd.f32 v40, v17;
	v14 =	vadd.f32 v41, v14;
	v31 =	vld [tilespmem:s22+$0x50]  }
0xad: {  	v6 =	vand.u32 $0xFFFF0000, v6;
	v16 =	vadd.f32 v21, v16;
	v15 =	vadd.f32 v25, v15;
	v26 =	vld [tilespmem:s22+$0x60]  }
0xae: {  	v7 =	vand.u32 $0xFFFF0000, v7;
	v17 =	vadd.f32 v19, v17;
	v14 =	vadd.f32 v18, v14;
	v21 =	vld [tilespmem:s22+$0x70]  }
0xaf: {  	v10 =	vand.u32 $0xFFFF0000, v10;
	v16 =	vadd.f32 v6, v16;
	v7 =	vadd.f32 v7, v15;
	v18 =	vld [tilespmem:s22+$0x0]  }
0xb0: {  	v13 =	vand.u32 $0xFFFF0000, v13;
	v12 =	vadd.f32 v12, v17;
	v11 =	vadd.f32 v11, v14;
	v32 =	vld [tilespmem:s22+$0x10]  }
0xb1: {  	v15 =	vand.u32 $0xFFFF0000, v2;
	v2 =	vmovc v24;
	v14 =	vadd.f32 v10, v16;
	v17 =	vadd.f32 v13, v7;
	v6 =	vld [tilespmem:s22+$0x20]  }
0xb2: {  	v16 =	vand.u32 $0xFFFF0000, v5;
	v5 =	vmovc v23;
	v9 =	vadd.f32 v9, v12;
	v8 =	vadd.f32 v8, v11;
	v7 =	vld [tilespmem:s22+$0x30];
	v10 =	vmovc v26  }
0xb3: {  	v11 =	vadd.f32 v15, v14;
	v15 =	vand.u32 $0xFFFF0000, v0;
	v0 =	vmovc v22;
	v12 =	vadd.f32 v16, v17;
	v40 =	vld [tilespmem:s22+$0xFFFFFFC0];
	v13 =	vmovc v21  }
0xb4: {  	v19 =	vand.u32 $0xFFFF0000, v1;
	v1 =	vmovc v20;
	v17 =	vadd.f32 v4, v9;
	v14 =	vadd.f32 v3, v8;
	v41 =	vld [tilespmem:s22+$0xFFFFFFD0]  }
0xb5: {  	v16 =	vadd.f32 v15, v11;
	v15 =	vadd.f32 v19, v12;
	v42 =	vld [tilespmem:s22+$0xFFFFFF80]  }
0xb6: {  	v23 =	vshll.u32 v47, $0x10;
	v22 =	vshll.u32 v46, $0x10;
	v20 =	vshll.u32 v0, $0x10;
	v43 =	vld [tilespmem:s22+$0xFFFFFF90]  }
0xb7: {  	v4 =	vand.u32 $0xFFFF0000, v46;
	v3 =	vand.u32 $0xFFFF0000, v47;
	v21 =	vshll.u32 v1, $0x10;
	v44 =	vld [tilespmem:s22+$0xFFFFFF40]  }
0xb8: {  	v24 =	vshll.u32 v2, $0x10;
	v46 =	vshll.u32 v27, $0x10;
	v47 =	vshll.u32 v28, $0x10;
	v45 =	vld [tilespmem:s22+$0xFFFFFF50]  }
0xb9: {  	v26 =	vshll.u32 v5, $0x10;
	v9 =	vand.u32 $0xFFFF0000, v27;
	v8 =	vand.u32 $0xFFFF0000, v28;
	v25 =	vld [tilespmem:s22+$0xFFFFFF00]  }
0xba: {  	v48 =	vshll.u32 v30, $0x10;
	v49 =	vshll.u32 v31, $0x10;
	v50 =	vshll.u32 v10, $0x10;
	v27 =	vld [tilespmem:s22+$0xFFFFFF10]  }
0xbb: {  	v11 =	vand.u32 $0xFFFF0000, v31;
	v51 =	vshll.u32 v13, $0x10;
	v12 =	vand.u32 $0xFFFF0000, v30;
	v29 =	vld [tilespmem:s22+$0xFFFFFF20]  }
0xbc: {  	v52 =	vshll.u32 v18, $0x10;
	v53 =	vshll.u32 v32, $0x10;
	v54 =	vshll.u32 v6, $0x10;
	v30 =	vld [tilespmem:s22+$0xFFFFFF30]  }
0xbd: {  	v19 =	vand.u32 $0xFFFF0000, v18;
	v18 =	vand.u32 $0xFFFF0000, v32;
	v55 =	vshll.u32 v7, $0x10;
	v28 =	vld [tilespmem:s22+$0xFFFFFF60]  }
0xbe: {  	v57 =	vshll.u32 v40, $0x10;
	v58 =	vshll.u32 v41, $0x10;
	v56 =	vshll.u32 v42, $0x10;
	v31 =	vld [tilespmem:s22+$0xFFFFFF70]  }
0xbf: {  	v61 =	vshll.u32 v43, $0x10;
	v59 =	vshll.u32 v44, $0x10;
	v60 =	vshll.u32 v45, $0x10;
	v32 =	vld [tilespmem:s22+$0xFFFFFFA0]  }
0xc0: {  	v33 =	vshll.u32 v25, $0x10;
	v35 =	vshll.u32 v27, $0x10;
	v62 =	vshll.u32 v29, $0x10;
	v34 =	vld [tilespmem:s22+$0xFFFFFFB0]  }
0xc1: {  	v36 =	vadd.f32 v33, v36;
	v37 =	vadd.f32 v35, v37;
	v63 =	vshll.u32 v30, $0x10;
	v33 =	vld [tilespmem:s22+$0xFFFFFFE0]  }
0xc2: {  	v38 =	vadd.f32 v62, v38;
	v39 =	vadd.f32 v63, v39;
	v62 =	vshll.u32 v28, $0x10;
	v35 =	vld [tilespmem:s22+$0xFFFFFFF0]  }
0xc3: {  	v36 =	vadd.f32 v59, v36;
	v37 =	vadd.f32 v60, v37;
	v63 =	vshll.u32 v31, $0x10  }
0xc4: {  	v38 =	vadd.f32 v62, v38;
	v39 =	vadd.f32 v63, v39;
	v59 =	vshll.u32 v32, $0x10  }
0xc5: {  	v36 =	vadd.f32 v56, v36;
	v37 =	vadd.f32 v61, v37;
	v60 =	vshll.u32 v34, $0x10  }
0xc6: {  	v38 =	vadd.f32 v59, v38;
	v39 =	vadd.f32 v60, v39;
	v56 =	vshll.u32 v33, $0x10  }
0xc7: {  	s21 =	sadd.s32 $0x8, s21;
	v36 =	vadd.f32 v57, v36;
	v37 =	vadd.f32 v58, v37;
	v59 =	vshll.u32 v35, $0x10  }
0xc8: {  	p1 =	slt.u32 s21, $0x58;
	v40 =	vand.u32 $0xFFFF0000, v40;
	v38 =	vadd.f32 v56, v38;
	v39 =	vadd.f32 v59, v39  }
.Ltmp1:
0xc9: {  	v41 =	vand.u32 $0xFFFF0000, v41;
	v36 =	vadd.f32 v52, v36;
	v37 =	vadd.f32 v53, v37;
	(pc) =	sbr.rel @p1 .LBB2_5-.Ltmp1, $4  }
0xca: {  	v42 =	vand.u32 $0xFFFF0000, v42;
	v38 =	vadd.f32 v54, v38;
	v39 =	vadd.f32 v55, v39  }
0xcb: {  	v43 =	vand.u32 $0xFFFF0000, v43;
	v48 =	vadd.f32 v48, v36;
	v49 =	vadd.f32 v49, v37  }
0xcc: {  	v44 =	vand.u32 $0xFFFF0000, v44;
	v36 =	vadd.f32 v50, v38;
	v37 =	vadd.f32 v51, v39  }
0xcd: {  	v45 =	vand.u32 $0xFFFF0000, v45;
	s22 =	sadd.s32 $0x200, s22;
	v38 =	vadd.f32 v46, v48;
	v39 =	vadd.f32 v47, v49  }
0xce: {  	v24 =	vadd.f32 v24, v36  }
0xcf: {  	v26 =	vadd.f32 v26, v37;
	v25 =	vand.u32 $0xFFFF0000, v25;
	v27 =	vand.u32 $0xFFFF0000, v27  }
0xd0: {  	v56 =	vand.u32 $0xFFFF0000, v29;
	v22 =	vadd.f32 v22, v38;
	v23 =	vadd.f32 v23, v39  }
0xd1: {  	v57 =	vand.u32 $0xFFFF0000, v30;
	v17 =	vadd.f32 v25, v17;
	v14 =	vadd.f32 v27, v14  }
0xd2: {  	v16 =	vadd.f32 v56, v16;
	v15 =	vadd.f32 v57, v15  }
0xd3: {  	v20 =	vadd.f32 v20, v24;
	v17 =	vadd.f32 v44, v17  }
0xd4: {  	v58 =	vand.u32 $0xFFFF0000, v28;
	v21 =	vadd.f32 v21, v26;
	v14 =	vadd.f32 v45, v14  }
0xd5: {  	v59 =	vand.u32 $0xFFFF0000, v31;
	v16 =	vadd.f32 v58, v16;
	v17 =	vadd.f32 v42, v17  }
0xd6: {  	v60 =	vand.u32 $0xFFFF0000, v32;
	v15 =	vadd.f32 v59, v15;
	v14 =	vadd.f32 v43, v14  }
0xd7: {  	v61 =	vand.u32 $0xFFFF0000, v34;
	v16 =	vadd.f32 v60, v16;
	v17 =	vadd.f32 v40, v17  }
0xd8: {  	v62 =	vand.u32 $0xFFFF0000, v33;
	v15 =	vadd.f32 v61, v15;
	v14 =	vadd.f32 v41, v14  }
0xd9: {  	v63 =	vand.u32 $0xFFFF0000, v35;
	s20 =	sadd.s32 @!p0 $0x130, s20;
	v16 =	vadd.f32 v62, v16;
	v17 =	vadd.f32 v19, v17  }
0xda: {  	s21 =	simm.s32 @!p0 $0x60;
	s22 =	simm.s32 @!p0 $0xE200;
	v6 =	vand.u32 $0xFFFF0000, v6;
	s31 =	sshll.u32 s19, $0x8;
	v15 =	vadd.f32 v63, v15;
	v14 =	vadd.f32 v18, v14  }
0xdb: {  	v7 =	vand.u32 $0xFFFF0000, v7;
	[tilespmem:s22], [sflag:$0x2] =	stream.indirect.gather @!p0 [hbm4b:s3+s21], $0x40, s20, s21, $0xb8;
	v6 =	vadd.f32 v6, v16;
	v12 =	vadd.f32 v12, v17;
	[tilespmem:$0x17A00] =	vst v63  }
0xdc: {  	v10 =	vand.u32 $0xFFFF0000, v10;
	s20 =	sand.u32 $0x3FFFFF00, s31;
	v7 =	vadd.f32 v7, v15;
	v11 =	vadd.f32 v11, v14  }
0xdd: {  	v13 =	vand.u32 $0xFFFF0000, v13;
	[tilespmem:s20+$0xFA00] =	vst v22;
	v6 =	vadd.f32 v10, v6;
	v9 =	vadd.f32 v9, v12  }
0xde: {  	v2 =	vand.u32 $0xFFFF0000, v2;
	s19 =	sadd.s32 $0x1, s19;
	[tilespmem:s20+$0xFA10] =	vst v23;
	v7 =	vadd.f32 v13, v7;
	v8 =	vadd.f32 v8, v11  }
0xdf: {  	v5 =	vand.u32 $0xFFFF0000, v5;
	p0 =	sne.s32 s19, $0x80;
	[tilespmem:s20+$0xFA20] =	vst v20;
	v2 =	vadd.f32 v2, v6;
	v4 =	vadd.f32 v4, v9  }
.Ltmp2:
0xe0: {  	v0 =	vand.u32 $0xFFFF0000, v0;
	[tilespmem:s20+$0xFA30] =	vst v21;
	v5 =	vadd.f32 v5, v7;
	v3 =	vadd.f32 v3, v8;
	(pc) =	sbr.rel @p0 .LBB2_2-.Ltmp2, $4  }
0xe1: {  	v1 =	vand.u32 $0xFFFF0000, v1;
	v0 =	vadd.f32 v0, v2;
	[tilespmem:s20+$0xFA40] =	vst v4  }
0xe2: {  	v1 =	vadd.f32 v1, v5;
	[tilespmem:s20+$0xFA50] =	vst v3  }
0xe3: {  	[tilespmem:s20+$0xFA60] =	vst v0  }
0xe4: {  	[tilespmem:s20+$0xFA70] =	vst v1  }
0xe5: {  	[tilespmem:s11], [sflag:$0x1] =	stream.indirect.gather [hbm4b:s3+s10], $0x40, s9, s10, $0xb8;
	[tilespmem:$0x17A00] =	vst v63  }
0xe6: {  	s19 =	simm.s32 $0x0  }
0xe7: {  	[tilespmem:s13], [sflag:$0x2] =	stream.indirect.gather [hbm4b:s3+s12], $0x40, s16, s12, $0xb8;
	[tilespmem:$0x17A00] =	vst v63  }
.LBB2_8:
0xe8: {  	_ =	swait.ge [sflag:s14], $0x1A00  }
0xe9: {  	[sflag:s14] =	ssyncset.done $0x0  }
0xea: {  	s20 =	simm.s32 $0xC900;
	[sflag:s14] =	ssyncadd.s32 $0xFFFFE600  }
0xeb: {  	v8 =	vld [tilespmem:s20+$0xC0]  }
0xec: {  	v9 =	vld [tilespmem:s20+$0xD0]  }
0xed: {  	v3 =	vld [tilespmem:s20+$0xE0]  }
0xee: {  	v4 =	vld [tilespmem:s20+$0xF0]  }
0xef: {  	v14 =	vld [tilespmem:s20+$0x80]  }
0xf0: {  	v15 =	vld [tilespmem:s20+$0x90]  }
0xf1: {  	v6 =	vld [tilespmem:s20+$0xA0]  }
0xf2: {  	v7 =	vld [tilespmem:s20+$0xB0]  }
0xf3: {  	v16 =	vld [tilespmem:s20+$0x40]  }
0xf4: {  	v17 =	vld [tilespmem:s20+$0x50]  }
0xf5: {  	v11 =	vld [tilespmem:s20+$0x60]  }
0xf6: {  	v12 =	vld [tilespmem:s20+$0x70]  }
0xf7: {  	v18 =	vld [tilespmem:s20+$0x0]  }
0xf8: {  	v19 =	vld [tilespmem:s20+$0x10]  }
0xf9: {  	v10 =	vld [tilespmem:s20+$0x20]  }
0xfa: {  	v13 =	vld [tilespmem:s20+$0x30]  }
0xfb: {  	v33 =	vld [tilespmem:s20+$0xFFFFFFC0]  }
0xfc: {  	v34 =	vld [tilespmem:s20+$0xFFFFFFD0]  }
0xfd: {  	v1 =	vimm.f32 $0.0e+00;
	v35 =	vld [tilespmem:s20+$0xFFFFFF80]  }
0xfe: {  	v36 =	vld [tilespmem:s20+$0xFFFFFF90];
	v5 =	vshll.u32 v8, $0x10;
	v20 =	vshll.u32 v9, $0x10;
	v0 =	vshll.u32 v3, $0x10  }
0xff: {  	v37 =	vld [tilespmem:s20+$0xFFFFFF40];
	v2 =	vshll.u32 v4, $0x10;
	v8 =	vand.u32 $0xFFFF0000, v8;
	v9 =	vand.u32 $0xFFFF0000, v9  }
0x100: {  	v45 =	vld [tilespmem:s20+$0xFFFFFF50];
	v46 =	vshll.u32 v14, $0x10;
	v47 =	vshll.u32 v15, $0x10;
	v21 =	vshll.u32 v6, $0x10  }
0x101: {  	v24 =	vld [tilespmem:s20+$0xFFFFFF00];
	v23 =	vshll.u32 v7, $0x10;
	v14 =	vand.u32 $0xFFFF0000, v14;
	v15 =	vand.u32 $0xFFFF0000, v15  }
0x102: {  	v25 =	vld [tilespmem:s20+$0xFFFFFF10];
	v39 =	vshll.u32 v16, $0x10;
	v40 =	vshll.u32 v17, $0x10;
	v48 =	vshll.u32 v11, $0x10  }
0x103: {  	v26 =	vld [tilespmem:s20+$0xFFFFFF20];
	v49 =	vshll.u32 v12, $0x10;
	v16 =	vand.u32 $0xFFFF0000, v16;
	v17 =	vand.u32 $0xFFFF0000, v17  }
0x104: {  	v27 =	vld [tilespmem:s20+$0xFFFFFF30];
	v42 =	vshll.u32 v18, $0x10;
	v43 =	vshll.u32 v19, $0x10;
	v44 =	vshll.u32 v10, $0x10  }
0x105: {  	v22 =	vld [tilespmem:s20+$0xFFFFFF60];
	v50 =	vshll.u32 v13, $0x10;
	v18 =	vand.u32 $0xFFFF0000, v18;
	v19 =	vand.u32 $0xFFFF0000, v19  }
0x106: {  	v28 =	vld [tilespmem:s20+$0xFFFFFF70];
	v38 =	vshll.u32 v35, $0x10;
	v41 =	vshll.u32 v33, $0x10;
	v51 =	vshll.u32 v34, $0x10  }
0x107: {  	v29 =	vld [tilespmem:s20+$0xFFFFFFA0];
	v52 =	vshll.u32 v37, $0x10;
	v53 =	vshll.u32 v45, $0x10;
	v54 =	vshll.u32 v36, $0x10  }
0x108: {  	v31 =	vld [tilespmem:s20+$0xFFFFFFB0];
	v30 =	vshll.u32 v24, $0x10;
	v32 =	vshll.u32 v25, $0x10;
	v55 =	vshll.u32 v26, $0x10  }
0x109: {  	v56 =	vshll.u32 v27, $0x10;
	v57 =	vadd.f32 v30, v1;
	v58 =	vadd.f32 v32, v1;
	v30 =	vld [tilespmem:s20+$0xFFFFFFE0]  }
0x10a: {  	v59 =	vshll.u32 v22, $0x10;
	v55 =	vadd.f32 v55, v1;
	v56 =	vadd.f32 v56, v1;
	v32 =	vld [tilespmem:s20+$0xFFFFFFF0]  }
0x10b: {  	v60 =	vshll.u32 v28, $0x10;
	v52 =	vadd.f32 v52, v57;
	v53 =	vadd.f32 v53, v58  }
0x10c: {  	v62 =	vshll.u32 v29, $0x10;
	v55 =	vadd.f32 v59, v55;
	v56 =	vadd.f32 v60, v56  }
0x10d: {  	v63 =	vshll.u32 v31, $0x10;
	v38 =	vadd.f32 v38, v52;
	v52 =	vadd.f32 v54, v53  }
0x10e: {  	v45 =	vand.u32 $0xFFFF0000, v45;
	v53 =	vadd.f32 v62, v55;
	v60 =	vadd.f32 v63, v56  }
0x10f: {  	v61 =	vshll.u32 v30, $0x10;
	v62 =	vshll.u32 v32, $0x10;
	v63 =	vadd.f32 v41, v38  }
0x110: {  	v51 =	vadd.f32 v51, v52;
	v38 =	vand.u32 $0xFFFF0000, v33;
	v59 =	vadd.f32 v61, v53  }
0x111: {  	v60 =	vadd.f32 v62, v60;
	v41 =	vand.u32 $0xFFFF0000, v34;
	v61 =	vadd.f32 v42, v63  }
0x112: {  	v51 =	vadd.f32 v43, v51;
	v42 =	vand.u32 $0xFFFF0000, v35;
	v33 =	vadd.f32 v44, v59  }
0x113: {  	v62 =	vadd.f32 v50, v60;
	v43 =	vand.u32 $0xFFFF0000, v36;
	v44 =	vand.u32 $0xFFFF0000, v37  }
0x114: {  	v35 =	vimm.f32 $0.0e+00;
	v34 =	vadd.f32 v39, v61;
	v63 =	vadd.f32 v40, v51  }
0x115: {  	v39 =	vadd.f32 v48, v33;
	v40 =	vadd.f32 v49, v62;
	v33 =	vimm.f32 $0.0e+00  }
0x116: {  	s21 =	simm.s32 $0xCB00;
	s20 =	simm.s32 $0x0;
	v36 =	vadd.f32 v46, v34;
	v37 =	vadd.f32 v47, v63;
	v34 =	vimm.f32 $0.0e+00  }
.LBB2_9:
0x117: {  	v46 =	vld [tilespmem:s21+$0xC0];
	v24 =	vand.u32 $0xFFFF0000, v24;
	v21 =	vadd.f32 v21, v39;
	v23 =	vadd.f32 v23, v40  }
0x118: {  	v25 =	vand.u32 $0xFFFF0000, v25;
	v47 =	vld [tilespmem:s21+$0xD0];
	v36 =	vadd.f32 v5, v36;
	v37 =	vadd.f32 v20, v37  }
0x119: {  	v20 =	vand.u32 $0xFFFF0000, v26;
	v5 =	vld [tilespmem:s21+$0xE0];
	v39 =	vadd.f32 v0, v21;
	v40 =	vadd.f32 v2, v23  }
0x11a: {  	v1 =	vadd.f32 v24, v1;
	v2 =	vand.u32 $0xFFFF0000, v27;
	v21 =	vadd.f32 v25, v33;
	v0 =	vld [tilespmem:s21+$0xF0]  }
0x11b: {  	v22 =	vand.u32 $0xFFFF0000, v22;
	v20 =	vadd.f32 v20, v34;
	v2 =	vadd.f32 v2, v35;
	v25 =	vld [tilespmem:s21+$0x80]  }
0x11c: {  	v23 =	vand.u32 $0xFFFF0000, v28;
	v1 =	vadd.f32 v44, v1;
	v21 =	vadd.f32 v45, v21;
	v26 =	vld [tilespmem:s21+$0x90]  }
0x11d: {  	v20 =	vadd.f32 v22, v20;
	v22 =	vand.u32 $0xFFFF0000, v29;
	v2 =	vadd.f32 v23, v2;
	v24 =	vld [tilespmem:s21+$0xA0]  }
0x11e: {  	v27 =	vand.u32 $0xFFFF0000, v31;
	v1 =	vadd.f32 v42, v1;
	v21 =	vadd.f32 v43, v21;
	v23 =	vld [tilespmem:s21+$0xB0]  }
0x11f: {  	v20 =	vadd.f32 v22, v20;
	v22 =	vand.u32 $0xFFFF0000, v30;
	v2 =	vadd.f32 v27, v2;
	v28 =	vld [tilespmem:s21+$0x40]  }
0x120: {  	v29 =	vand.u32 $0xFFFF0000, v32;
	v1 =	vadd.f32 v38, v1;
	v21 =	vadd.f32 v41, v21;
	v27 =	vld [tilespmem:s21+$0x50]  }
0x121: {  	v10 =	vand.u32 $0xFFFF0000, v10;
	v20 =	vadd.f32 v22, v20;
	v2 =	vadd.f32 v29, v2;
	v30 =	vld [tilespmem:s21+$0x60]  }
0x122: {  	v13 =	vand.u32 $0xFFFF0000, v13;
	v1 =	vadd.f32 v18, v1;
	v18 =	vadd.f32 v19, v21;
	v22 =	vld [tilespmem:s21+$0x70]  }
0x123: {  	v11 =	vand.u32 $0xFFFF0000, v11;
	v20 =	vadd.f32 v10, v20;
	v2 =	vadd.f32 v13, v2;
	v19 =	vld [tilespmem:s21+$0x0]  }
0x124: {  	v12 =	vand.u32 $0xFFFF0000, v12;
	v1 =	vadd.f32 v16, v1;
	v16 =	vadd.f32 v17, v18;
	v29 =	vld [tilespmem:s21+$0x10]  }
0x125: {  	v17 =	vadd.f32 v11, v20;
	v20 =	vand.u32 $0xFFFF0000, v6;
	v6 =	vmovc v24;
	v2 =	vadd.f32 v12, v2;
	v10 =	vld [tilespmem:s21+$0x20]  }
0x126: {  	v18 =	vand.u32 $0xFFFF0000, v7;
	v7 =	vmovc v23;
	v1 =	vadd.f32 v14, v1;
	v14 =	vadd.f32 v15, v16;
	v13 =	vld [tilespmem:s21+$0x30];
	v11 =	vmovc v30  }
0x127: {  	v15 =	vadd.f32 v20, v17;
	v16 =	vand.u32 $0xFFFF0000, v3;
	v3 =	vmovc v5;
	v2 =	vadd.f32 v18, v2;
	v38 =	vld [tilespmem:s21+$0xFFFFFFC0];
	v12 =	vmovc v22  }
0x128: {  	v5 =	vand.u32 $0xFFFF0000, v4;
	v4 =	vmovc v0;
	v1 =	vadd.f32 v8, v1;
	v33 =	vadd.f32 v9, v14;
	v41 =	vld [tilespmem:s21+$0xFFFFFFD0]  }
0x129: {  	v34 =	vadd.f32 v16, v15;
	v35 =	vadd.f32 v5, v2;
	v42 =	vld [tilespmem:s21+$0xFFFFFF80]  }
0x12a: {  	v20 =	vshll.u32 v47, $0x10;
	v0 =	vshll.u32 v3, $0x10;
	v5 =	vshll.u32 v46, $0x10;
	v43 =	vld [tilespmem:s21+$0xFFFFFF90]  }
0x12b: {  	v8 =	vand.u32 $0xFFFF0000, v46;
	v9 =	vand.u32 $0xFFFF0000, v47;
	v2 =	vshll.u32 v4, $0x10;
	v44 =	vld [tilespmem:s21+$0xFFFFFF40]  }
0x12c: {  	v21 =	vshll.u32 v6, $0x10;
	v47 =	vshll.u32 v26, $0x10;
	v46 =	vshll.u32 v25, $0x10;
	v45 =	vld [tilespmem:s21+$0xFFFFFF50]  }
0x12d: {  	v23 =	vshll.u32 v7, $0x10;
	v14 =	vand.u32 $0xFFFF0000, v25;
	v15 =	vand.u32 $0xFFFF0000, v26;
	v24 =	vld [tilespmem:s21+$0xFFFFFF00]  }
0x12e: {  	v48 =	vshll.u32 v28, $0x10;
	v49 =	vshll.u32 v27, $0x10;
	v50 =	vshll.u32 v11, $0x10;
	v25 =	vld [tilespmem:s21+$0xFFFFFF10]  }
0x12f: {  	v17 =	vand.u32 $0xFFFF0000, v27;
	v16 =	vand.u32 $0xFFFF0000, v28;
	v51 =	vshll.u32 v12, $0x10;
	v26 =	vld [tilespmem:s21+$0xFFFFFF20]  }
0x130: {  	v52 =	vshll.u32 v19, $0x10;
	v53 =	vshll.u32 v29, $0x10;
	v54 =	vshll.u32 v10, $0x10;
	v27 =	vld [tilespmem:s21+$0xFFFFFF30]  }
0x131: {  	v18 =	vand.u32 $0xFFFF0000, v19;
	v19 =	vand.u32 $0xFFFF0000, v29;
	v55 =	vshll.u32 v13, $0x10;
	v22 =	vld [tilespmem:s21+$0xFFFFFF60]  }
0x132: {  	v57 =	vshll.u32 v38, $0x10;
	v58 =	vshll.u32 v41, $0x10;
	v56 =	vshll.u32 v42, $0x10;
	v28 =	vld [tilespmem:s21+$0xFFFFFF70]  }
0x133: {  	v61 =	vshll.u32 v43, $0x10;
	v59 =	vshll.u32 v44, $0x10;
	v60 =	vshll.u32 v45, $0x10;
	v29 =	vld [tilespmem:s21+$0xFFFFFFA0]  }
0x134: {  	v30 =	vshll.u32 v24, $0x10;
	v32 =	vshll.u32 v25, $0x10;
	v62 =	vshll.u32 v26, $0x10;
	v31 =	vld [tilespmem:s21+$0xFFFFFFB0]  }
0x135: {  	v36 =	vadd.f32 v30, v36;
	v37 =	vadd.f32 v32, v37;
	v63 =	vshll.u32 v27, $0x10;
	v30 =	vld [tilespmem:s21+$0xFFFFFFE0]  }
0x136: {  	v39 =	vadd.f32 v62, v39;
	v40 =	vadd.f32 v63, v40;
	v62 =	vshll.u32 v22, $0x10;
	v32 =	vld [tilespmem:s21+$0xFFFFFFF0]  }
0x137: {  	v36 =	vadd.f32 v59, v36;
	v37 =	vadd.f32 v60, v37;
	v63 =	vshll.u32 v28, $0x10  }
0x138: {  	v39 =	vadd.f32 v62, v39;
	v40 =	vadd.f32 v63, v40;
	v59 =	vshll.u32 v29, $0x10  }
0x139: {  	v36 =	vadd.f32 v56, v36;
	v37 =	vadd.f32 v61, v37;
	v60 =	vshll.u32 v31, $0x10  }
0x13a: {  	v39 =	vadd.f32 v59, v39;
	v40 =	vadd.f32 v60, v40;
	v56 =	vshll.u32 v30, $0x10  }
0x13b: {  	s20 =	sadd.s32 $0x8, s20;
	v36 =	vadd.f32 v57, v36;
	v37 =	vadd.f32 v58, v37;
	v59 =	vshll.u32 v32, $0x10  }
0x13c: {  	p0 =	slt.u32 s20, $0x60;
	v38 =	vand.u32 $0xFFFF0000, v38;
	v39 =	vadd.f32 v56, v39;
	v40 =	vadd.f32 v59, v40  }
.Ltmp3:
0x13d: {  	v41 =	vand.u32 $0xFFFF0000, v41;
	v36 =	vadd.f32 v52, v36;
	v37 =	vadd.f32 v53, v37;
	(pc) =	sbr.rel @p0 .LBB2_9-.Ltmp3, $4  }
0x13e: {  	v42 =	vand.u32 $0xFFFF0000, v42;
	v39 =	vadd.f32 v54, v39;
	v40 =	vadd.f32 v55, v40  }
0x13f: {  	v43 =	vand.u32 $0xFFFF0000, v43;
	v36 =	vadd.f32 v48, v36;
	v37 =	vadd.f32 v49, v37  }
0x140: {  	v44 =	vand.u32 $0xFFFF0000, v44;
	v39 =	vadd.f32 v50, v39;
	v40 =	vadd.f32 v51, v40  }
0x141: {  	v45 =	vand.u32 $0xFFFF0000, v45;
	s21 =	sadd.s32 $0x200, s21;
	v36 =	vadd.f32 v46, v36;
	v37 =	vadd.f32 v47, v37  }
0x142: {  	p0 =	seq.s32 s19, $0x7F  }
0x143: {  	s20 =	smul.u32 @!p0 $0x320, s19;
	_ =	sdelay $0x1  }
0x144: {  	s20 =	sshra.s32 @!p0 s20, $0x2  }
0x145: {  	s22 =	simm.s32 @!p0 $0x68;
	s23 =	simm.s32 @!p0 $0xC800;
	s21 =	sadd.s32 @!p0 $0x64C8, s20  }
0x146: {  	[tilespmem:s23], [sflag:$0x1] =	stream.indirect.gather @!p0 [hbm4b:s3+s22], $0x40, s21, s22, $0xb8;
	[tilespmem:$0x17A00] =	vst v63  }
0x147: {  	_ =	swait.ge [sflag:s15], $0x1800  }
0x148: {  	v24 =	vand.u32 $0xFFFF0000, v24;
	v21 =	vadd.f32 v21, v39;
	[sflag:s15] =	ssyncset.done $0x0  }
0x149: {  	s31 =	simm.s32 $0xE300;
	v23 =	vadd.f32 v23, v40;
	v25 =	vand.u32 $0xFFFF0000, v25;
	v22 =	vand.u32 $0xFFFF0000, v22;
	[sflag:s15] =	ssyncadd.s32 $0xFFFFE800  }
0x14a: {  	v11 =	vand.u32 $0xFFFF0000, v11;
	v36 =	vadd.f32 v5, v36;
	v37 =	vadd.f32 v20, v37;
	v58 =	vld [tilespmem:s31+$0xC0]  }
0x14b: {  	v5 =	vand.u32 $0xFFFF0000, v26;
	v20 =	vadd.f32 v24, v1;
	v46 =	vadd.f32 v0, v21;
	v59 =	vld [tilespmem:s31+$0xD0]  }
0x14c: {  	v47 =	vadd.f32 v2, v23;
	v2 =	vand.u32 $0xFFFF0000, v27;
	v21 =	vadd.f32 v25, v33;
	v1 =	vld [tilespmem:s31+$0xF0]  }
0x14d: {  	v12 =	vand.u32 $0xFFFF0000, v12;
	v5 =	vadd.f32 v5, v34;
	v2 =	vadd.f32 v2, v35;
	v27 =	vld [tilespmem:s31+$0x80]  }
0x14e: {  	v23 =	vand.u32 $0xFFFF0000, v28;
	v20 =	vadd.f32 v44, v20;
	v21 =	vadd.f32 v45, v21;
	v28 =	vld [tilespmem:s31+$0x90]  }
0x14f: {  	v24 =	vand.u32 $0xFFFF0000, v29;
	v22 =	vadd.f32 v22, v5;
	v23 =	vadd.f32 v23, v2;
	v2 =	vld [tilespmem:s31+$0xA0]  }
0x150: {  	v25 =	vand.u32 $0xFFFF0000, v31;
	v20 =	vadd.f32 v42, v20;
	v21 =	vadd.f32 v43, v21;
	v5 =	vld [tilespmem:s31+$0xB0]  }
0x151: {  	v22 =	vadd.f32 v24, v22;
	v24 =	vand.u32 $0xFFFF0000, v30;
	v23 =	vadd.f32 v25, v23;
	v30 =	vld [tilespmem:s31+$0x40]  }
0x152: {  	v25 =	vand.u32 $0xFFFF0000, v32;
	v20 =	vadd.f32 v38, v20;
	v21 =	vadd.f32 v41, v21;
	v31 =	vld [tilespmem:s31+$0x50]  }
0x153: {  	v22 =	vadd.f32 v24, v22;
	v24 =	vand.u32 $0xFFFF0000, v10;
	v23 =	vadd.f32 v25, v23;
	v10 =	vld [tilespmem:s31+$0x60]  }
0x154: {  	v25 =	vand.u32 $0xFFFF0000, v13;
	v18 =	vadd.f32 v18, v20;
	v13 =	vld [tilespmem:s31+$0x70];
	v19 =	vadd.f32 v19, v21  }
0x155: {  	v3 =	vand.u32 $0xFFFF0000, v3;
	v60 =	vld [tilespmem:s31+$0x0];
	v20 =	vadd.f32 v24, v22;
	v21 =	vadd.f32 v25, v23  }
0x156: {  	v4 =	vand.u32 $0xFFFF0000, v4;
	v38 =	vld [tilespmem:s31+$0xFFFFFFC0];
	v16 =	vadd.f32 v16, v18;
	v17 =	vadd.f32 v17, v19  }
0x157: {  	v42 =	vld [tilespmem:s31+$0xFFFFFF80];
	v11 =	vadd.f32 v11, v20;
	v19 =	vand.u32 $0xFFFF0000, v6;
	v12 =	vadd.f32 v12, v21  }
0x158: {  	v43 =	vld [tilespmem:s31+$0xFFFFFF90];
	v20 =	vand.u32 $0xFFFF0000, v7;
	v14 =	vadd.f32 v14, v16;
	v15 =	vadd.f32 v15, v17  }
0x159: {  	v39 =	vld [tilespmem:s31+$0xFFFFFF50];
	v11 =	vadd.f32 v19, v11;
	v22 =	vshll.u32 v58, $0x10;
	v23 =	vshll.u32 v59, $0x10  }
0x15a: {  	v29 =	vld [tilespmem:s31+$0xFFFFFF20];
	v21 =	vshll.u32 v1, $0x10;
	v48 =	vshll.u32 v27, $0x10;
	v49 =	vshll.u32 v28, $0x10  }
0x15b: {  	v0 =	vld [tilespmem:s31+$0xE0];
	v24 =	vshll.u32 v2, $0x10;
	v26 =	vshll.u32 v5, $0x10;
	v45 =	vshll.u32 v30, $0x10  }
0x15c: {  	v41 =	vld [tilespmem:s31+$0xFFFFFFD0];
	v50 =	vshll.u32 v31, $0x10;
	v51 =	vshll.u32 v10, $0x10;
	v52 =	vshll.u32 v13, $0x10  }
0x15d: {  	v44 =	vld [tilespmem:s31+$0xFFFFFF40];
	v53 =	vshll.u32 v60, $0x10;
	v19 =	vand.u32 $0xFFFF0000, v60;
	v40 =	vshll.u32 v42, $0x10  }
0x15e: {  	v18 =	vld [tilespmem:s31+$0x10];
	v57 =	vshll.u32 v38, $0x10;
	v60 =	vshll.u32 v39, $0x10;
	v61 =	vshll.u32 v43, $0x10  }
0x15f: {  	v25 =	vld [tilespmem:s31+$0xFFFFFF00];
	v62 =	vshll.u32 v29, $0x10;
	v42 =	vand.u32 $0xFFFF0000, v42;
	v12 =	vadd.f32 v20, v12  }
0x160: {  	v17 =	vadd.f32 v8, v14;
	v14 =	vadd.f32 v9, v15;
	v9 =	vand.u32 $0xFFFF0000, v27;
	v27 =	vld [tilespmem:s31+$0xFFFFFF10]  }
0x161: {  	v43 =	vand.u32 $0xFFFF0000, v43;
	v15 =	vadd.f32 v4, v12;
	v12 =	vand.u32 $0xFFFF0000, v30;
	v30 =	vld [tilespmem:s31+$0xFFFFFF30]  }
0x162: {  	v20 =	vshll.u32 v0, $0x10;
	v8 =	vand.u32 $0xFFFF0000, v28;
	v28 =	vld [tilespmem:s31+$0xFFFFFF60];
	v46 =	vadd.f32 v62, v46  }
0x163: {  	v16 =	vadd.f32 v3, v11;
	v3 =	vand.u32 $0xFFFF0000, v59;
	v11 =	vand.u32 $0xFFFF0000, v31;
	v31 =	vld [tilespmem:s31+$0xFFFFFF70]  }
0x164: {  	v32 =	vld [tilespmem:s31+$0xFFFFFFA0];
	v54 =	vshll.u32 v18, $0x10;
	v18 =	vand.u32 $0xFFFF0000, v18;
	v33 =	vshll.u32 v25, $0x10  }
0x165: {  	v34 =	vld [tilespmem:s31+$0xFFFFFFB0];
	v59 =	vshll.u32 v44, $0x10;
	v36 =	vadd.f32 v33, v36;
	v35 =	vshll.u32 v27, $0x10  }
0x166: {  	v4 =	vand.u32 $0xFFFF0000, v58;
	v33 =	vld [tilespmem:s31+$0xFFFFFFE0];
	v63 =	vshll.u32 v30, $0x10;
	v37 =	vadd.f32 v35, v37  }
0x167: {  	v58 =	vshll.u32 v41, $0x10;
	v36 =	vadd.f32 v59, v36;
	v35 =	vld [tilespmem:s31+$0xFFFFFFF0];
	v47 =	vadd.f32 v63, v47  }
0x168: {  	v6 =	vld [tilespmem:s31+$0x20];
	v62 =	vshll.u32 v28, $0x10;
	v63 =	vshll.u32 v31, $0x10;
	v37 =	vadd.f32 v60, v37  }
0x169: {  	v7 =	vld [tilespmem:s31+$0x30];
	v59 =	vshll.u32 v32, $0x10;
	v46 =	vadd.f32 v62, v46;
	v47 =	vadd.f32 v63, v47  }
0x16a: {  	v36 =	vadd.f32 v40, v36;
	v60 =	vshll.u32 v34, $0x10;
	v37 =	vadd.f32 v61, v37  }
0x16b: {  	v46 =	vadd.f32 v59, v46;
	v59 =	vshll.u32 v33, $0x10;
	v47 =	vadd.f32 v60, v47  }
0x16c: {  	v36 =	vadd.f32 v57, v36;
	v60 =	vshll.u32 v35, $0x10;
	v37 =	vadd.f32 v58, v37  }
0x16d: {  	v55 =	vshll.u32 v6, $0x10;
	v61 =	vadd.f32 v59, v46;
	v62 =	vadd.f32 v60, v47  }
0x16e: {  	v56 =	vshll.u32 v7, $0x10;
	v36 =	vadd.f32 v53, v36;
	v37 =	vadd.f32 v54, v37  }
0x16f: {  	v40 =	vand.u32 $0xFFFF0000, v38;
	v38 =	vadd.f32 v55, v61;
	v46 =	vadd.f32 v56, v62  }
0x170: {  	v44 =	vand.u32 $0xFFFF0000, v44;
	v63 =	vadd.f32 v45, v36;
	v50 =	vadd.f32 v50, v37  }
0x171: {  	v41 =	vand.u32 $0xFFFF0000, v41;
	v36 =	vadd.f32 v51, v38;
	v37 =	vadd.f32 v52, v46  }
0x172: {  	s21 =	simm.s32 $0x0;
	s22 =	simm.s32 $0xE500;
	v45 =	vand.u32 $0xFFFF0000, v39;
	v38 =	vadd.f32 v48, v63;
	v39 =	vadd.f32 v49, v50  }
.LBB2_11:
0x173: {  	v46 =	vld [tilespmem:s22+$0xC0];
	v25 =	vand.u32 $0xFFFF0000, v25;
	v24 =	vadd.f32 v24, v36;
	v26 =	vadd.f32 v26, v37  }
0x174: {  	v27 =	vand.u32 $0xFFFF0000, v27;
	v47 =	vld [tilespmem:s22+$0xD0];
	v36 =	vadd.f32 v22, v38;
	v37 =	vadd.f32 v23, v39  }
0x175: {  	v23 =	vand.u32 $0xFFFF0000, v29;
	v22 =	vld [tilespmem:s22+$0xE0];
	v38 =	vadd.f32 v20, v24;
	v39 =	vadd.f32 v21, v26  }
0x176: {  	v17 =	vadd.f32 v25, v17;
	v14 =	vadd.f32 v27, v14;
	v21 =	vand.u32 $0xFFFF0000, v30;
	v20 =	vld [tilespmem:s22+$0xF0]  }
0x177: {  	v16 =	vadd.f32 v23, v16;
	v15 =	vadd.f32 v21, v15;
	v21 =	vand.u32 $0xFFFF0000, v28;
	v27 =	vld [tilespmem:s22+$0x80]  }
0x178: {  	v23 =	vand.u32 $0xFFFF0000, v31;
	v17 =	vadd.f32 v44, v17;
	v14 =	vadd.f32 v45, v14;
	v28 =	vld [tilespmem:s22+$0x90]  }
0x179: {  	v16 =	vadd.f32 v21, v16;
	v21 =	vand.u32 $0xFFFF0000, v32;
	v15 =	vadd.f32 v23, v15;
	v24 =	vld [tilespmem:s22+$0xA0]  }
0x17a: {  	v25 =	vand.u32 $0xFFFF0000, v34;
	v17 =	vadd.f32 v42, v17;
	v14 =	vadd.f32 v43, v14;
	v23 =	vld [tilespmem:s22+$0xB0]  }
0x17b: {  	v16 =	vadd.f32 v21, v16;
	v21 =	vand.u32 $0xFFFF0000, v33;
	v15 =	vadd.f32 v25, v15;
	v30 =	vld [tilespmem:s22+$0x40]  }
0x17c: {  	v25 =	vand.u32 $0xFFFF0000, v35;
	v17 =	vadd.f32 v40, v17;
	v14 =	vadd.f32 v41, v14;
	v31 =	vld [tilespmem:s22+$0x50]  }
0x17d: {  	v6 =	vand.u32 $0xFFFF0000, v6;
	v16 =	vadd.f32 v21, v16;
	v15 =	vadd.f32 v25, v15;
	v26 =	vld [tilespmem:s22+$0x60]  }
0x17e: {  	v7 =	vand.u32 $0xFFFF0000, v7;
	v17 =	vadd.f32 v19, v17;
	v14 =	vadd.f32 v18, v14;
	v21 =	vld [tilespmem:s22+$0x70]  }
0x17f: {  	v10 =	vand.u32 $0xFFFF0000, v10;
	v16 =	vadd.f32 v6, v16;
	v7 =	vadd.f32 v7, v15;
	v18 =	vld [tilespmem:s22+$0x0]  }
0x180: {  	v13 =	vand.u32 $0xFFFF0000, v13;
	v12 =	vadd.f32 v12, v17;
	v11 =	vadd.f32 v11, v14;
	v32 =	vld [tilespmem:s22+$0x10]  }
0x181: {  	v15 =	vand.u32 $0xFFFF0000, v2;
	v2 =	vmovc v24;
	v14 =	vadd.f32 v10, v16;
	v17 =	vadd.f32 v13, v7;
	v6 =	vld [tilespmem:s22+$0x20]  }
0x182: {  	v16 =	vand.u32 $0xFFFF0000, v5;
	v5 =	vmovc v23;
	v9 =	vadd.f32 v9, v12;
	v8 =	vadd.f32 v8, v11;
	v7 =	vld [tilespmem:s22+$0x30];
	v10 =	vmovc v26  }
0x183: {  	v11 =	vadd.f32 v15, v14;
	v15 =	vand.u32 $0xFFFF0000, v0;
	v0 =	vmovc v22;
	v12 =	vadd.f32 v16, v17;
	v40 =	vld [tilespmem:s22+$0xFFFFFFC0];
	v13 =	vmovc v21  }
0x184: {  	v19 =	vand.u32 $0xFFFF0000, v1;
	v1 =	vmovc v20;
	v17 =	vadd.f32 v4, v9;
	v14 =	vadd.f32 v3, v8;
	v41 =	vld [tilespmem:s22+$0xFFFFFFD0]  }
0x185: {  	v16 =	vadd.f32 v15, v11;
	v15 =	vadd.f32 v19, v12;
	v42 =	vld [tilespmem:s22+$0xFFFFFF80]  }
0x186: {  	v23 =	vshll.u32 v47, $0x10;
	v22 =	vshll.u32 v46, $0x10;
	v20 =	vshll.u32 v0, $0x10;
	v43 =	vld [tilespmem:s22+$0xFFFFFF90]  }
0x187: {  	v4 =	vand.u32 $0xFFFF0000, v46;
	v3 =	vand.u32 $0xFFFF0000, v47;
	v21 =	vshll.u32 v1, $0x10;
	v44 =	vld [tilespmem:s22+$0xFFFFFF40]  }
0x188: {  	v24 =	vshll.u32 v2, $0x10;
	v46 =	vshll.u32 v27, $0x10;
	v47 =	vshll.u32 v28, $0x10;
	v45 =	vld [tilespmem:s22+$0xFFFFFF50]  }
0x189: {  	v26 =	vshll.u32 v5, $0x10;
	v9 =	vand.u32 $0xFFFF0000, v27;
	v8 =	vand.u32 $0xFFFF0000, v28;
	v25 =	vld [tilespmem:s22+$0xFFFFFF00]  }
0x18a: {  	v48 =	vshll.u32 v30, $0x10;
	v49 =	vshll.u32 v31, $0x10;
	v50 =	vshll.u32 v10, $0x10;
	v27 =	vld [tilespmem:s22+$0xFFFFFF10]  }
0x18b: {  	v11 =	vand.u32 $0xFFFF0000, v31;
	v51 =	vshll.u32 v13, $0x10;
	v12 =	vand.u32 $0xFFFF0000, v30;
	v29 =	vld [tilespmem:s22+$0xFFFFFF20]  }
0x18c: {  	v52 =	vshll.u32 v18, $0x10;
	v53 =	vshll.u32 v32, $0x10;
	v54 =	vshll.u32 v6, $0x10;
	v30 =	vld [tilespmem:s22+$0xFFFFFF30]  }
0x18d: {  	v19 =	vand.u32 $0xFFFF0000, v18;
	v18 =	vand.u32 $0xFFFF0000, v32;
	v55 =	vshll.u32 v7, $0x10;
	v28 =	vld [tilespmem:s22+$0xFFFFFF60]  }
0x18e: {  	v57 =	vshll.u32 v40, $0x10;
	v58 =	vshll.u32 v41, $0x10;
	v56 =	vshll.u32 v42, $0x10;
	v31 =	vld [tilespmem:s22+$0xFFFFFF70]  }
0x18f: {  	v61 =	vshll.u32 v43, $0x10;
	v59 =	vshll.u32 v44, $0x10;
	v60 =	vshll.u32 v45, $0x10;
	v32 =	vld [tilespmem:s22+$0xFFFFFFA0]  }
0x190: {  	v33 =	vshll.u32 v25, $0x10;
	v35 =	vshll.u32 v27, $0x10;
	v62 =	vshll.u32 v29, $0x10;
	v34 =	vld [tilespmem:s22+$0xFFFFFFB0]  }
0x191: {  	v36 =	vadd.f32 v33, v36;
	v37 =	vadd.f32 v35, v37;
	v63 =	vshll.u32 v30, $0x10;
	v33 =	vld [tilespmem:s22+$0xFFFFFFE0]  }
0x192: {  	v38 =	vadd.f32 v62, v38;
	v39 =	vadd.f32 v63, v39;
	v62 =	vshll.u32 v28, $0x10;
	v35 =	vld [tilespmem:s22+$0xFFFFFFF0]  }
0x193: {  	v36 =	vadd.f32 v59, v36;
	v37 =	vadd.f32 v60, v37;
	v63 =	vshll.u32 v31, $0x10  }
0x194: {  	v38 =	vadd.f32 v62, v38;
	v39 =	vadd.f32 v63, v39;
	v59 =	vshll.u32 v32, $0x10  }
0x195: {  	v36 =	vadd.f32 v56, v36;
	v37 =	vadd.f32 v61, v37;
	v60 =	vshll.u32 v34, $0x10  }
0x196: {  	v38 =	vadd.f32 v59, v38;
	v39 =	vadd.f32 v60, v39;
	v56 =	vshll.u32 v33, $0x10  }
0x197: {  	s21 =	sadd.s32 $0x8, s21;
	v36 =	vadd.f32 v57, v36;
	v37 =	vadd.f32 v58, v37;
	v59 =	vshll.u32 v35, $0x10  }
0x198: {  	p1 =	slt.u32 s21, $0x58;
	v40 =	vand.u32 $0xFFFF0000, v40;
	v38 =	vadd.f32 v56, v38;
	v39 =	vadd.f32 v59, v39  }
.Ltmp4:
0x199: {  	v41 =	vand.u32 $0xFFFF0000, v41;
	v36 =	vadd.f32 v52, v36;
	v37 =	vadd.f32 v53, v37;
	(pc) =	sbr.rel @p1 .LBB2_11-.Ltmp4, $4  }
0x19a: {  	v42 =	vand.u32 $0xFFFF0000, v42;
	v38 =	vadd.f32 v54, v38;
	v39 =	vadd.f32 v55, v39  }
0x19b: {  	v43 =	vand.u32 $0xFFFF0000, v43;
	v48 =	vadd.f32 v48, v36;
	v49 =	vadd.f32 v49, v37  }
0x19c: {  	v44 =	vand.u32 $0xFFFF0000, v44;
	v36 =	vadd.f32 v50, v38;
	v37 =	vadd.f32 v51, v39  }
0x19d: {  	v45 =	vand.u32 $0xFFFF0000, v45;
	s22 =	sadd.s32 $0x200, s22;
	v38 =	vadd.f32 v46, v48;
	v39 =	vadd.f32 v47, v49  }
0x19e: {  	v24 =	vadd.f32 v24, v36  }
0x19f: {  	v26 =	vadd.f32 v26, v37;
	v25 =	vand.u32 $0xFFFF0000, v25;
	v27 =	vand.u32 $0xFFFF0000, v27  }
0x1a0: {  	v56 =	vand.u32 $0xFFFF0000, v29;
	v22 =	vadd.f32 v22, v38;
	v23 =	vadd.f32 v23, v39  }
0x1a1: {  	v57 =	vand.u32 $0xFFFF0000, v30;
	v17 =	vadd.f32 v25, v17;
	v14 =	vadd.f32 v27, v14  }
0x1a2: {  	v16 =	vadd.f32 v56, v16;
	v15 =	vadd.f32 v57, v15  }
0x1a3: {  	v20 =	vadd.f32 v20, v24;
	v17 =	vadd.f32 v44, v17  }
0x1a4: {  	v58 =	vand.u32 $0xFFFF0000, v28;
	v21 =	vadd.f32 v21, v26;
	v14 =	vadd.f32 v45, v14  }
0x1a5: {  	v59 =	vand.u32 $0xFFFF0000, v31;
	v16 =	vadd.f32 v58, v16;
	v17 =	vadd.f32 v42, v17  }
0x1a6: {  	v60 =	vand.u32 $0xFFFF0000, v32;
	v15 =	vadd.f32 v59, v15;
	v14 =	vadd.f32 v43, v14  }
0x1a7: {  	v61 =	vand.u32 $0xFFFF0000, v34;
	v16 =	vadd.f32 v60, v16;
	v17 =	vadd.f32 v40, v17  }
0x1a8: {  	v62 =	vand.u32 $0xFFFF0000, v33;
	v15 =	vadd.f32 v61, v15;
	v14 =	vadd.f32 v41, v14  }
0x1a9: {  	v63 =	vand.u32 $0xFFFF0000, v35;
	s20 =	sadd.s32 @!p0 $0x6530, s20;
	v16 =	vadd.f32 v62, v16;
	v17 =	vadd.f32 v19, v17  }
0x1aa: {  	s21 =	simm.s32 @!p0 $0x60;
	s22 =	simm.s32 @!p0 $0xE200;
	v6 =	vand.u32 $0xFFFF0000, v6;
	s31 =	sshll.u32 s19, $0x8;
	v15 =	vadd.f32 v63, v15;
	v14 =	vadd.f32 v18, v14  }
0x1ab: {  	v7 =	vand.u32 $0xFFFF0000, v7;
	[tilespmem:s22], [sflag:$0x2] =	stream.indirect.gather @!p0 [hbm4b:s3+s21], $0x40, s20, s21, $0xb8;
	v6 =	vadd.f32 v6, v16;
	v12 =	vadd.f32 v12, v17;
	[tilespmem:$0x17A00] =	vst v63  }
0x1ac: {  	v10 =	vand.u32 $0xFFFF0000, v10;
	s20 =	sand.u32 $0x3FFFFF00, s31;
	v7 =	vadd.f32 v7, v15;
	v11 =	vadd.f32 v11, v14  }
0x1ad: {  	v13 =	vand.u32 $0xFFFF0000, v13;
	[tilespmem:s20+$0xFA80] =	vst v22;
	v6 =	vadd.f32 v10, v6;
	v9 =	vadd.f32 v9, v12  }
0x1ae: {  	v2 =	vand.u32 $0xFFFF0000, v2;
	s19 =	sadd.s32 $0x1, s19;
	[tilespmem:s20+$0xFA90] =	vst v23;
	v7 =	vadd.f32 v13, v7;
	v8 =	vadd.f32 v8, v11  }
0x1af: {  	v5 =	vand.u32 $0xFFFF0000, v5;
	p0 =	sne.s32 s19, $0x80;
	[tilespmem:s20+$0xFAA0] =	vst v20;
	v2 =	vadd.f32 v2, v6;
	v4 =	vadd.f32 v4, v9  }
.Ltmp5:
0x1b0: {  	v0 =	vand.u32 $0xFFFF0000, v0;
	[tilespmem:s20+$0xFAB0] =	vst v21;
	v5 =	vadd.f32 v5, v7;
	v3 =	vadd.f32 v3, v8;
	(pc) =	sbr.rel @p0 .LBB2_8-.Ltmp5, $4  }
0x1b1: {  	v1 =	vand.u32 $0xFFFF0000, v1;
	v0 =	vadd.f32 v0, v2;
	[tilespmem:s20+$0xFAC0] =	vst v4  }
0x1b2: {  	v1 =	vadd.f32 v1, v5;
	[tilespmem:s20+$0xFAD0] =	vst v3  }
0x1b3: {  	[tilespmem:s20+$0xFAE0] =	vst v0  }
0x1b4: {  	[tilespmem:s20+$0xFAF0] =	vst v1  }
0x1b5: {  	s18 =	sadd.s32 $0x1, s18  }
0x1b6: {  	p0 =	sne.s32 s18, s7  }
.Ltmp6:
0x1b7: {  	_ = 	snop;
	(pc) =	sbr.rel @p0 .LBB2_1-.Ltmp6, $4  }
0x1b8: {  	[hbm4b:s6+s2] =	stream.linear.scatter [tilespmem:s17], [sflag:$0x3], $0x8000, $0x38;
	[tilespmem:$0x17A00] =	vst v63  }
0x1b9: {  	_ =	swait.ge [sflag:s8], $0x8000  }
0x1ba: {  	[sflag:s8] =	ssyncset.done $0x0  }
0x1bb: {  	[sflag:s8] =	ssyncadd.s32 $0xFFFF8000  }
0x1bc: {  	_ =	sfence.sel $0x180000  }
0x1bd: {  	[bflag:$0x0] =	sbarrier.arrive $0xFFFF  }
0x1be: {  	p0 =	sne.s32 s0, $0x0;
	_ =	strace $0x90000047  }
0x1bf: {  	s0 =	sadd.s32 @!p0 $0x100000, s1;
	[bflag:$0x2] =	sbarrier.arrive $0xFFFF  }
0x1c0: {  	[sflag:s0] =	ssyncadd.tile.s32 @!p0 $0x1;
	_ =	shalt  }
.Lfunc_end2:
_tile_overlayer_lowered:
.L_overlay_start_2:
0x1c1: {  	(tag) =	ssettag $0x2  }
0x1c2: {  	s0 =	rddreg [dreg:$0x0];
	s2 =	stileid.u32  }
0x1c3: {  	s1 =	rddreg [dreg:$0x1];
	p0 =	sne.s32 s2, $0x0  }
0x1c4: {  	s3 =	rddreg [dreg:$0x2];
	[bflag:$0x3] =	sbarrier.arrive $0xFFFF;
	s2 =	simm.s32 @!p0 $0x1C03  }
0x1c5: {  	[timem:s3], [sflag:s2] =	dma.local @!p0 [hbm:s0], s1  }
0x1c6: {  	s0 =	simm.s32 @!p0 $0x3  }
0x1c7: {  	_ =	swait.ge @!p0 [sflag:s0], s1  }
0x1c8: {  	s1 =	ssub.s32 @!p0 $0x0, s1;
	[sflag:s0] =	ssyncset.done @!p0 $0x0  }
0x1c9: {  	[sflag:s0] =	ssyncadd.s32 @!p0 s1  }
0x1ca: {  	[bflag:$0x3] =	sbarrier.arrive $0xFFFF  }
0x1cb: {  	_ =	shalt  }

</sc_bundles>
